<compile_context>
chip_gen: v7x
topology: tpu7x:2x2x1
jax: 0.10.2.dev20260603
libtpu: 0.0.44.dev20260713+nightly
codegen_flags: <defaults>
</compile_context>

<pallas_src>
import functools

import jax
import jax.numpy as jnp
from jax import lax
from jax.experimental import pallas as pl
from jax.experimental.pallas import tpu as pltpu
from jax.experimental.pallas import tpu_sc as plsc

_N = 10000
_E = 320000
_BERT = 768
_D = 128
_G = 64
_L = 2

_NC = 2
_NS = 16
_NW = _NC * _NS
_C = 120
_CH = 84
_EPT = _C * _CH
_E_PAD = _NW * _EPT
_ROWS_PER_TILE = 632
_N_PAD = _ROWS_PER_TILE * _NS


def _sc_edge_agg_body(x_hbm, src_hbm, dst_hbm, out_hbm,
                      sbuf0, sbuf1, sbuf2, dbuf0, dbuf1, dbuf2,
                      rows0_v, rows1_v, rows2_v, agg_sh,
                      semi0, semi1, semi2, sem0, sem1, sem2):
    cid = lax.axis_index("c")
    sid = lax.axis_index("s")
    wid = sid * _NC + cid
    ebase = wid * _EPT

    sbufs, dbufs, rows, semis, sems = ((sbuf0, sbuf1, sbuf2),
                                       (dbuf0, dbuf1, dbuf2),
                                       (rows0_v, rows1_v, rows2_v),
                                       (semi0, semi1, semi2),
                                       (sem0, sem1, sem2))

    def _idx_load(c, p):
        off = pl.multiple_of(ebase + c * _C, 8)
        pltpu.async_copy(src_hbm.at[pl.ds(off, _C)], sbufs[p], semis[p])
        pltpu.async_copy(dst_hbm.at[pl.ds(off, _C)], dbufs[p], semis[p])

    def _idx_wait(p):
        pltpu.make_async_copy(src_hbm.at[pl.ds(0, _C)], sbufs[p],
                              semis[p]).wait()
        pltpu.make_async_copy(dst_hbm.at[pl.ds(0, _C)], dbufs[p],
                              semis[p]).wait()

    def _gather(p):
        pltpu.async_copy(x_hbm.at[sbufs[p]], rows[p], sems[p])

    def _gather_wait(p):
        pltpu.make_async_copy(x_hbm.at[sbufs[p]], rows[p], sems[p]).wait()

    _idx_load(0, 0)

    zero = jnp.zeros((16,), jnp.float32)

    def _zero_row(i, _):
        for j in range(8):
            rows0_v[i, pl.ds(j * 16, 16)] = zero
        return _

    lax.fori_loop(0, _C, _zero_row, None, unroll=4)

    zbase = sid * _ROWS_PER_TILE
    nfull = _ROWS_PER_TILE // _C
    for k in range(nfull):
        pltpu.sync_copy(rows0_v, agg_sh.at[pl.ds(zbase + k * _C, _C)])
    rem = _ROWS_PER_TILE - nfull * _C
    pltpu.sync_copy(rows0_v.at[pl.ds(0, rem)],
                    agg_sh.at[pl.ds(zbase + nfull * _C, rem)])
    plsc.subcore_barrier()

    _idx_wait(0)
    _gather(0)
    _idx_load(1, 1)
    _idx_load(2, 2)

    def _chunk(c, q):
        _idx_wait((q + 1) % 3)
        _gather((q + 1) % 3)
        _gather_wait(q)
        pltpu.sync_copy(rows[q], agg_sh.at[dbufs[q]], add=True)
        _idx_load(jnp.minimum(c + 3, _CH - 1), q)

    def _six(k, _):
        for j in range(6):
            _chunk(6 * k + j, j % 3)
        return _

    lax.fori_loop(0, _CH // 6, _six, None)
    _gather_wait(0)
    _idx_wait(1)
    _idx_wait(2)
    plsc.subcore_barrier()

    pltpu.sync_copy(agg_sh.at[pl.ds(zbase, _ROWS_PER_TILE)],
                    out_hbm.at[cid, pl.ds(zbase, _ROWS_PER_TILE)])


@functools.partial(jax.jit, static_argnames=())
def _sc_edge_agg(x, src_p, dst_p):
    mesh = plsc.VectorSubcoreMesh(core_axis_name="c", subcore_axis_name="s")
    return pl.kernel(
        _sc_edge_agg_body,
        out_type=jax.ShapeDtypeStruct((_NC, _N_PAD, _D), jnp.float32),
        mesh=mesh,
        scratch_types=(
            [pltpu.VMEM((_C,), jnp.int32)] * 6
            + [pltpu.VMEM((_C, _D), jnp.float32)] * 3
            + [pltpu.VMEM_SHARED((_N_PAD, _D), jnp.float32)]
            + [pltpu.SemaphoreType.DMA] * 6
        ),
    )(x, src_p, dst_p)


_RB = 2000


def _proj_body(xb_ref, w_ref, b_ref, o_ref):
    o_ref[...] = (
        jnp.dot(xb_ref[...], w_ref[...], preferred_element_type=jnp.float32)
        + b_ref[...]
    )


def _proj(x_bert, W, b):
    return pl.pallas_call(
        _proj_body,
        grid=(_N // _RB,),
        in_specs=[
            pl.BlockSpec((_RB, _BERT), lambda i: (i, 0)),
            pl.BlockSpec((_BERT, _D), lambda i: (0, 0)),
            pl.BlockSpec((1, _D), lambda i: (0, 0)),
        ],
        out_specs=pl.BlockSpec((_RB, _D), lambda i: (i, 0)),
        out_shape=jax.ShapeDtypeStruct((_N, _D), jnp.float32),
    )(x_bert, W, b.reshape(1, _D))


def _layer_new_x(x_ref, p_ref, ws_ref, wn_ref, b_ref):
    x = x_ref[...]
    p = p_ref[...]
    agg = p[0] + p[1]
    v = (
        jnp.dot(x, ws_ref[...], preferred_element_type=jnp.float32)
        + jnp.dot(agg, wn_ref[...], preferred_element_type=jnp.float32)
        + b_ref[...]
    )
    return jnp.maximum(v, 0.01 * v) + x


def _layer_body(x_ref, p_ref, ws_ref, wn_ref, b_ref, o_ref):
    o_ref[...] = _layer_new_x(x_ref, p_ref, ws_ref, wn_ref, b_ref)


def _layer_update(x, parts, Ws, Wn, b):
    return pl.pallas_call(
        _layer_body,
        grid=(_N // _RB,),
        in_specs=[
            pl.BlockSpec((_RB, _D), lambda i: (i, 0)),
            pl.BlockSpec((_NC, _RB, _D), lambda i: (0, i, 0)),
            pl.BlockSpec((_D, _D), lambda i: (0, 0)),
            pl.BlockSpec((_D, _D), lambda i: (0, 0)),
            pl.BlockSpec((1, _D), lambda i: (0, 0)),
        ],
        out_specs=pl.BlockSpec((_RB, _D), lambda i: (i, 0)),
        out_shape=jax.ShapeDtypeStruct((_N, _D), jnp.float32),
    )(x, parts, Ws, Wn, b.reshape(1, _D))


def _fused_body(x_ref, p_ref, ws_ref, wn_ref, b_ref, bid_ref,
                w1_ref, b1_ref, w2_ref, b2_ref, o_ref,
                sums_scr, cnts_scr):
    i = pl.program_id(0)
    nsteps = pl.num_programs(0)

    @pl.when(i == 0)
    def _():
        sums_scr[...] = jnp.zeros_like(sums_scr)
        cnts_scr[...] = jnp.zeros_like(cnts_scr)

    xn = _layer_new_x(x_ref, p_ref, ws_ref, wn_ref, b_ref)
    bid = bid_ref[0]
    gids = lax.broadcasted_iota(jnp.int32, (_G, _RB), 0)
    mask = (bid == gids).astype(jnp.float32)
    sums_scr[...] += jnp.dot(mask, xn, preferred_element_type=jnp.float32)
    cnts_scr[...] += jnp.broadcast_to(
        jnp.sum(mask, axis=1, keepdims=True), (_G, _D))

    @pl.when(i == nsteps - 1)
    def _():
        pooled = sums_scr[...] / jnp.maximum(cnts_scr[...], 1.0)
        h = jnp.maximum(
            jnp.dot(pooled, w1_ref[...], preferred_element_type=jnp.float32)
            + b1_ref[...], 0.0)
        o_ref[...] = (
            jnp.dot(h, w2_ref[...], preferred_element_type=jnp.float32)
            + b2_ref[...]
        )


def _fused_layer_pool_mlp(x, parts, Ws, Wn, b, batch_ids, W1, b1, W2p, b2p):
    bid3 = batch_ids.reshape(_N // _RB, 1, _RB)
    return pl.pallas_call(
        _fused_body,
        grid=(_N // _RB,),
        in_specs=[
            pl.BlockSpec((_RB, _D), lambda i: (i, 0)),
            pl.BlockSpec((_NC, _RB, _D), lambda i: (0, i, 0)),
            pl.BlockSpec((_D, _D), lambda i: (0, 0)),
            pl.BlockSpec((_D, _D), lambda i: (0, 0)),
            pl.BlockSpec((1, _D), lambda i: (0, 0)),
            pl.BlockSpec((1, 1, _RB), lambda i: (i, 0, 0)),
            pl.BlockSpec((_D, _D), lambda i: (0, 0)),
            pl.BlockSpec((1, _D), lambda i: (0, 0)),
            pl.BlockSpec((_D, _D), lambda i: (0, 0)),
            pl.BlockSpec((1, _D), lambda i: (0, 0)),
        ],
        out_specs=pl.BlockSpec((_G, _D), lambda i: (0, 0)),
        out_shape=jax.ShapeDtypeStruct((_G, _D), jnp.float32),
        scratch_shapes=[
            pltpu.VMEM((_G, _D), jnp.float32),
            pltpu.VMEM((_G, _D), jnp.float32),
        ],
    )(x, parts, Ws, Wn, b.reshape(1, _D), bid3,
      W1, b1.reshape(1, _D), W2p, b2p.reshape(1, _D))


def kernel(x_bert, edge_index, batch_ids, W_b2f, b_b2f, gnn_W_self, gnn_W_nbr,
           gnn_b, mlp_W1, mlp_b1, mlp_W2, mlp_b2):
    src = edge_index[0].astype(jnp.int32)
    dst = edge_index[1].astype(jnp.int32)
    ppt = _EPT - _E // _NW
    pad_src = (jnp.arange(_NW * ppt, dtype=jnp.int32) % _N).reshape(_NW, ppt)
    pad_dst = (_N + jnp.arange(_NW * ppt, dtype=jnp.int32)
               % (_N_PAD - _N)).reshape(_NW, ppt)
    src_p = jnp.concatenate(
        [src.reshape(_NW, _E // _NW), pad_src], axis=1).reshape(-1)
    dst_p = jnp.concatenate(
        [dst.reshape(_NW, _E // _NW), pad_dst], axis=1).reshape(-1)

    x = _proj(x_bert, W_b2f, b_b2f)
    parts = _sc_edge_agg(x, src_p, dst_p)
    x = _layer_update(x, parts, gnn_W_self[0], gnn_W_nbr[0], gnn_b[0])
    parts = _sc_edge_agg(x, src_p, dst_p)

    W2p = jnp.pad(mlp_W2, ((0, 0), (0, _D - mlp_W2.shape[1])))
    b2p = jnp.pad(mlp_b2, (0, _D - mlp_b2.shape[0]))
    logits = _fused_layer_pool_mlp(
        x, parts, gnn_W_self[1], gnn_W_nbr[1], gnn_b[1],
        batch_ids.astype(jnp.int32), mlp_W1, mlp_b1, W2p, b2p)
    return logits[:, :mlp_W2.shape[1]]

# --- scband reference (transcript-rebuilt; emitter-appended) ---
"""Pipeline reference for scband-omi-graph-47493748359698 (READ-ONLY COPY).

The authoritative reference and input builder live on the scoring server;
editing this copy changes nothing except your own understanding.
"""

import jax, jax.numpy as jnp
import numpy as np

N = 10000
E = 320000
BERT = 768
D = 128
G = 64
L = 2


def setup_inputs(seed: int = 0) -> dict:
    key = jax.random.key(seed)
    ks = jax.random.split(key, 12)
    x_bert = jax.random.normal(ks[0], (N, BERT), dtype=jnp.float32)
    edge_index = jax.random.randint(ks[1], (2, E), 0, N)
    batch_ids = jnp.sort(jax.random.randint(ks[2], (N,), 0, G))
    W_b2f = jax.random.normal(ks[3], (BERT, D), dtype=jnp.float32) * 0.02
    b_b2f = jnp.zeros((D,), dtype=jnp.float32)
    gnn_W_self = jax.random.normal(ks[4], (L, D, D), dtype=jnp.float32) * 0.05
    gnn_W_nbr = jax.random.normal(ks[5], (L, D, D), dtype=jnp.float32) * 0.05
    gnn_b = jnp.zeros((L, D), dtype=jnp.float32)
    mlp_W1 = jax.random.normal(ks[6], (D, 128), dtype=jnp.float32) * 0.05
    mlp_b1 = jnp.zeros((128,), dtype=jnp.float32)
    mlp_W2 = jax.random.normal(ks[7], (128, 2), dtype=jnp.float32) * 0.05
    mlp_b2 = jnp.zeros((2,), dtype=jnp.float32)
    return {"x_bert": x_bert, "edge_index": edge_index, "batch_ids": batch_ids,
            "W_b2f": W_b2f, "b_b2f": b_b2f, "gnn_W_self": gnn_W_self,
            "gnn_W_nbr": gnn_W_nbr, "gnn_b": gnn_b, "mlp_W1": mlp_W1,
            "mlp_b1": mlp_b1, "mlp_W2": mlp_W2, "mlp_b2": mlp_b2}


def reference(x_bert, edge_index, batch_ids, W_b2f, b_b2f, gnn_W_self, gnn_W_nbr,
              gnn_b, mlp_W1, mlp_b1, mlp_W2, mlp_b2):
    # bert_to_feature projection on sentence [CLS] embeddings
    x = x_bert @ W_b2f + b_b2f
    src = edge_index[0]
    dst = edge_index[1]
    # SemHeteroGNN: stack of GraphConv layers with leaky_relu + residual
    for l in range(L):
        res = x
        msg = x[src] @ gnn_W_nbr[l]                      # gather neighbor feats
        agg = jax.ops.segment_sum(msg, dst, num_segments=N)  # scatter-add aggr
        x = x @ gnn_W_self[l] + agg + gnn_b[l]
        x = jax.nn.leaky_relu(x, negative_slope=0.01)
        x = x + res
    # HeteroGNNPooling: mean over each news graph's sentence nodes
    sums = jax.ops.segment_sum(x, batch_ids, num_segments=G)
    counts = jax.ops.segment_sum(jnp.ones((N,), dtype=jnp.float32), batch_ids, num_segments=G)
    pooled = sums / jnp.clip(counts, 1.0)[:, None]
    # cls_mlp_semantic: 2-layer MLP -> 2 logits per graph
    h = jax.nn.relu(pooled @ mlp_W1 + mlp_b1)
    preds_semantic_graph = h @ mlp_W2 + mlp_b2
    return preds_semantic_graph

if __name__ == "__main__":
    import jax
    _d = setup_inputs()
    print(jax.jit(kernel)(*tuple(_d.values())))

</pallas_src>

<mosaic_0001>
#map = affine_map<(d0, d1) -> (0, 0)>
#map1 = affine_map<(d0, d1) -> (0)>
#map2 = affine_map<(d0, d1) -> (0, 0, 0)>
module attributes {stable_mosaic.version = 14 : i64} {
  func.func @_sc_edge_agg_body(%arg0: i32, %arg1: i32, %arg2: memref<10000x128xf32, #tpu.memory_space<hbm>>, %arg3: memref<322560xi32, #tpu.memory_space<hbm>>, %arg4: memref<322560xi32, #tpu.memory_space<hbm>>, %arg5: memref<2x10112x128xf32, #tpu.memory_space<hbm>>, %arg6: memref<120xi32, #tpu.memory_space<vmem>>, %arg7: memref<120xi32, #tpu.memory_space<vmem>>, %arg8: memref<120xi32, #tpu.memory_space<vmem>>, %arg9: memref<120xi32, #tpu.memory_space<vmem>>, %arg10: memref<120xi32, #tpu.memory_space<vmem>>, %arg11: memref<120xi32, #tpu.memory_space<vmem>>, %arg12: memref<120x128xf32, #tpu.memory_space<vmem>>, %arg13: memref<120x128xf32, #tpu.memory_space<vmem>>, %arg14: memref<120x128xf32, #tpu.memory_space<vmem>>, %arg15: memref<10112x128xf32, #tpu.memory_space<vmem_shared>>, %arg16: memref<!tpu.dma_semaphore, #tpu.memory_space<semaphore_mem>>, %arg17: memref<!tpu.dma_semaphore, #tpu.memory_space<semaphore_mem>>, %arg18: memref<!tpu.dma_semaphore, #tpu.memory_space<semaphore_mem>>, %arg19: memref<!tpu.dma_semaphore, #tpu.memory_space<semaphore_mem>>, %arg20: memref<!tpu.dma_semaphore, #tpu.memory_space<semaphore_mem>>, %arg21: memref<!tpu.dma_semaphore, #tpu.memory_space<semaphore_mem>>) attributes {dimension_semantics = [#tpu.dimension_semantics<core_parallel>, #tpu.dimension_semantics<subcore_parallel>], iteration_bounds = array<i64: 2, 16>, scalar_prefetch = 0 : i64, scratch_operands = 16 : i64, tpu.core_type = #tpu.core_type<sc_vector_subcore>, window_params = [{transform_indices = #map}, {transform_indices = #map1}, {transform_indices = #map1}, {transform_indices = #map2}]} {
    %mul3A = arith.constant 2 : i32
    %mul3A_0 = arith.muli %arg1, %mul3A : i32
    %add3A = arith.addi %mul3A_0, %arg0 : i32
    %mul3A_1 = arith.constant 10080 : i32
    %mul3A_2 = arith.muli %add3A, %mul3A_1 : i32
    %add3A_3 = arith.constant 0 : i32
    %add3A_4 = arith.addi %mul3A_2, %add3A_3 : i32
    %multiple_of3A = tpu.assume_multiple %add3A_4, 8 : i32
    %dma_start3A = tpu.memref_slice %arg3[%multiple_of3A] : memref<322560xi32, #tpu.memory_space<hbm>> -> memref<120xi32, #tpu.memory_space<hbm>>
    %dma_start3A_5 = tpu.memref_slice %arg3[%multiple_of3A] : memref<322560xi32, #tpu.memory_space<hbm>> -> memref<120xi32, #tpu.memory_space<hbm>>
    tpu.enqueue_dma source(%dma_start3A_5 : memref<120xi32, #tpu.memory_space<hbm>>) target(%arg6 : memref<120xi32, #tpu.memory_space<vmem>>) target_semaphore(%arg16 : memref<!tpu.dma_semaphore, #tpu.memory_space<semaphore_mem>>)
    %dma_start3A_6 = tpu.memref_slice %arg4[%multiple_of3A] : memref<322560xi32, #tpu.memory_space<hbm>> -> memref<120xi32, #tpu.memory_space<hbm>>
    %dma_start3A_7 = tpu.memref_slice %arg4[%multiple_of3A] : memref<322560xi32, #tpu.memory_space<hbm>> -> memref<120xi32, #tpu.memory_space<hbm>>
    tpu.enqueue_dma source(%dma_start3A_7 : memref<120xi32, #tpu.memory_space<hbm>>) target(%arg9 : memref<120xi32, #tpu.memory_space<vmem>>) target_semaphore(%arg16 : memref<!tpu.dma_semaphore, #tpu.memory_space<semaphore_mem>>)
    %broadcast_in_dim3A = arith.constant 0.000000e+00 : f32
    %broadcast_in_dim3A_8 = vector.broadcast %broadcast_in_dim3A : f32 to vector<16xf32>
    %scan3A = arith.constant 0 : i32
    %scan3A_9 = arith.constant 120 : i32
    %scan3A_10 = arith.addi %scan3A, %scan3A_9 : i32
    %scan3A_11 = arith.constant 4 : i32
    scf.for %scan3A_76 = %scan3A to %scan3A_10 step %scan3A_11  : i32 {
      %swap3A = arith.index_cast %scan3A_76 : i32 to index
      %swap3A_77 = arith.constant 0 : index
      %swap3A_78 = tpu.vector_load %arg12[%swap3A, %swap3A_77] {strides = array<i32>} : memref<120x128xf32, #tpu.memory_space<vmem>>, vector<1x16xf32>,
      %swap3A_79 = vector.shape_cast %swap3A_78 : vector<1x16xf32> to vector<16xf32>
      %swap3A_80 = vector.shape_cast %broadcast_in_dim3A_8 : vector<16xf32> to vector<1x16xf32>
      tpu.vector_store %arg12[%swap3A, %swap3A_77], %swap3A_80 {strides = array<i32>} : memref<120x128xf32, #tpu.memory_space<vmem>>, vector<1x16xf32>,
      %swap3A_81 = arith.index_cast %scan3A_76 : i32 to index
      %swap3A_82 = arith.constant 16 : index
      %swap3A_83 = tpu.vector_load %arg12[%swap3A_81, %swap3A_82] {strides = array<i32>} : memref<120x128xf32, #tpu.memory_space<vmem>>, vector<1x16xf32>,
      %swap3A_84 = vector.shape_cast %swap3A_83 : vector<1x16xf32> to vector<16xf32>
      %swap3A_85 = vector.shape_cast %broadcast_in_dim3A_8 : vector<16xf32> to vector<1x16xf32>
      tpu.vector_store %arg12[%swap3A_81, %swap3A_82], %swap3A_85 {strides = array<i32>} : memref<120x128xf32, #tpu.memory_space<vmem>>, vector<1x16xf32>,
      %swap3A_86 = arith.index_cast %scan3A_76 : i32 to index
      %swap3A_87 = arith.constant 32 : index
      %swap3A_88 = tpu.vector_load %arg12[%swap3A_86, %swap3A_87] {strides = array<i32>} : memref<120x128xf32, #tpu.memory_space<vmem>>, vector<1x16xf32>,
      %swap3A_89 = vector.shape_cast %swap3A_88 : vector<1x16xf32> to vector<16xf32>
      %swap3A_90 = vector.shape_cast %broadcast_in_dim3A_8 : vector<16xf32> to vector<1x16xf32>
      tpu.vector_store %arg12[%swap3A_86, %swap3A_87], %swap3A_90 {strides = array<i32>} : memref<120x128xf32, #tpu.memory_space<vmem>>, vector<1x16xf32>,
      %swap3A_91 = arith.index_cast %scan3A_76 : i32 to index
      %swap3A_92 = arith.constant 48 : index
      %swap3A_93 = tpu.vector_load %arg12[%swap3A_91, %swap3A_92] {strides = array<i32>} : memref<120x128xf32, #tpu.memory_space<vmem>>, vector<1x16xf32>,
      %swap3A_94 = vector.shape_cast %swap3A_93 : vector<1x16xf32> to vector<16xf32>
      %swap3A_95 = vector.shape_cast %broadcast_in_dim3A_8 : vector<16xf32> to vector<1x16xf32>
      tpu.vector_store %arg12[%swap3A_91, %swap3A_92], %swap3A_95 {strides = array<i32>} : memref<120x128xf32, #tpu.memory_space<vmem>>, vector<1x16xf32>,
      %swap3A_96 = arith.index_cast %scan3A_76 : i32 to index
      %swap3A_97 = arith.constant 64 : index
      %swap3A_98 = tpu.vector_load %arg12[%swap3A_96, %swap3A_97] {strides = array<i32>} : memref<120x128xf32, #tpu.memory_space<vmem>>, vector<1x16xf32>,
      %swap3A_99 = vector.shape_cast %swap3A_98 : vector<1x16xf32> to vector<16xf32>
      %swap3A_100 = vector.shape_cast %broadcast_in_dim3A_8 : vector<16xf32> to vector<1x16xf32>
      tpu.vector_store %arg12[%swap3A_96, %swap3A_97], %swap3A_100 {strides = array<i32>} : memref<120x128xf32, #tpu.memory_space<vmem>>, vector<1x16xf32>,
      %swap3A_101 = arith.index_cast %scan3A_76 : i32 to index
      %swap3A_102 = arith.constant 80 : index
      %swap3A_103 = tpu.vector_load %arg12[%swap3A_101, %swap3A_102] {strides = array<i32>} : memref<120x128xf32, #tpu.memory_space<vmem>>, vector<1x16xf32>,
      %swap3A_104 = vector.shape_cast %swap3A_103 : vector<1x16xf32> to vector<16xf32>
      %swap3A_105 = vector.shape_cast %broadcast_in_dim3A_8 : vector<16xf32> to vector<1x16xf32>
      tpu.vector_store %arg12[%swap3A_101, %swap3A_102], %swap3A_105 {strides = array<i32>} : memref<120x128xf32, #tpu.memory_space<vmem>>, vector<1x16xf32>,
      %swap3A_106 = arith.index_cast %scan3A_76 : i32 to index
      %swap3A_107 = arith.constant 96 : index
      %swap3A_108 = tpu.vector_load %arg12[%swap3A_106, %swap3A_107] {strides = array<i32>} : memref<120x128xf32, #tpu.memory_space<vmem>>, vector<1x16xf32>,
      %swap3A_109 = vector.shape_cast %swap3A_108 : vector<1x16xf32> to vector<16xf32>
      %swap3A_110 = vector.shape_cast %broadcast_in_dim3A_8 : vector<16xf32> to vector<1x16xf32>
      tpu.vector_store %arg12[%swap3A_106, %swap3A_107], %swap3A_110 {strides = array<i32>} : memref<120x128xf32, #tpu.memory_space<vmem>>, vector<1x16xf32>,
      %swap3A_111 = arith.index_cast %scan3A_76 : i32 to index
      %swap3A_112 = arith.constant 112 : index
      %swap3A_113 = tpu.vector_load %arg12[%swap3A_111, %swap3A_112] {strides = array<i32>} : memref<120x128xf32, #tpu.memory_space<vmem>>, vector<1x16xf32>,
      %swap3A_114 = vector.shape_cast %swap3A_113 : vector<1x16xf32> to vector<16xf32>
      %swap3A_115 = vector.shape_cast %broadcast_in_dim3A_8 : vector<16xf32> to vector<1x16xf32>
      tpu.vector_store %arg12[%swap3A_111, %swap3A_112], %swap3A_115 {strides = array<i32>} : memref<120x128xf32, #tpu.memory_space<vmem>>, vector<1x16xf32>,
      %scan3A_116 = arith.constant 1 : i32
      %scan3A_117 = arith.addi %scan3A_76, %scan3A_116 : i32
      %swap3A_118 = arith.index_cast %scan3A_117 : i32 to index
      %swap3A_119 = arith.constant 0 : index
      %swap3A_120 = tpu.vector_load %arg12[%swap3A_118, %swap3A_119] {strides = array<i32>} : memref<120x128xf32, #tpu.memory_space<vmem>>, vector<1x16xf32>,
      %swap3A_121 = vector.shape_cast %swap3A_120 : vector<1x16xf32> to vector<16xf32>
      %swap3A_122 = vector.shape_cast %broadcast_in_dim3A_8 : vector<16xf32> to vector<1x16xf32>
      tpu.vector_store %arg12[%swap3A_118, %swap3A_119], %swap3A_122 {strides = array<i32>} : memref<120x128xf32, #tpu.memory_space<vmem>>, vector<1x16xf32>,
      %swap3A_123 = arith.index_cast %scan3A_117 : i32 to index
      %swap3A_124 = arith.constant 16 : index
      %swap3A_125 = tpu.vector_load %arg12[%swap3A_123, %swap3A_124] {strides = array<i32>} : memref<120x128xf32, #tpu.memory_space<vmem>>, vector<1x16xf32>,
      %swap3A_126 = vector.shape_cast %swap3A_125 : vector<1x16xf32> to vector<16xf32>
      %swap3A_127 = vector.shape_cast %broadcast_in_dim3A_8 : vector<16xf32> to vector<1x16xf32>
      tpu.vector_store %arg12[%swap3A_123, %swap3A_124], %swap3A_127 {strides = array<i32>} : memref<120x128xf32, #tpu.memory_space<vmem>>, vector<1x16xf32>,
      %swap3A_128 = arith.index_cast %scan3A_117 : i32 to index
      %swap3A_129 = arith.constant 32 : index
      %swap3A_130 = tpu.vector_load %arg12[%swap3A_128, %swap3A_129] {strides = array<i32>} : memref<120x128xf32, #tpu.memory_space<vmem>>, vector<1x16xf32>,
      %swap3A_131 = vector.shape_cast %swap3A_130 : vector<1x16xf32> to vector<16xf32>
      %swap3A_132 = vector.shape_cast %broadcast_in_dim3A_8 : vector<16xf32> to vector<1x16xf32>
      tpu.vector_store %arg12[%swap3A_128, %swap3A_129], %swap3A_132 {strides = array<i32>} : memref<120x128xf32, #tpu.memory_space<vmem>>, vector<1x16xf32>,
      %swap3A_133 = arith.index_cast %scan3A_117 : i32 to index
      %swap3A_134 = arith.constant 48 : index
      %swap3A_135 = tpu.vector_load %arg12[%swap3A_133, %swap3A_134] {strides = array<i32>} : memref<120x128xf32, #tpu.memory_space<vmem>>, vector<1x16xf32>,
      %swap3A_136 = vector.shape_cast %swap3A_135 : vector<1x16xf32> to vector<16xf32>
      %swap3A_137 = vector.shape_cast %broadcast_in_dim3A_8 : vector<16xf32> to vector<1x16xf32>
      tpu.vector_store %arg12[%swap3A_133, %swap3A_134], %swap3A_137 {strides = array<i32>} : memref<120x128xf32, #tpu.memory_space<vmem>>, vector<1x16xf32>,
      %swap3A_138 = arith.index_cast %scan3A_117 : i32 to index
      %swap3A_139 = arith.constant 64 : index
      %swap3A_140 = tpu.vector_load %arg12[%swap3A_138, %swap3A_139] {strides = array<i32>} : memref<120x128xf32, #tpu.memory_space<vmem>>, vector<1x16xf32>,
      %swap3A_141 = vector.shape_cast %swap3A_140 : vector<1x16xf32> to vector<16xf32>
      %swap3A_142 = vector.shape_cast %broadcast_in_dim3A_8 : vector<16xf32> to vector<1x16xf32>
      tpu.vector_store %arg12[%swap3A_138, %swap3A_139], %swap3A_142 {strides = array<i32>} : memref<120x128xf32, #tpu.memory_space<vmem>>, vector<1x16xf32>,
      %swap3A_143 = arith.index_cast %scan3A_117 : i32 to index
      %swap3A_144 = arith.constant 80 : index
      %swap3A_145 = tpu.vector_load %arg12[%swap3A_143, %swap3A_144] {strides = array<i32>} : memref<120x128xf32, #tpu.memory_space<vmem>>, vector<1x16xf32>,
      %swap3A_146 = vector.shape_cast %swap3A_145 : vector<1x16xf32> to vector<16xf32>
      %swap3A_147 = vector.shape_cast %broadcast_in_dim3A_8 : vector<16xf32> to vector<1x16xf32>
      tpu.vector_store %arg12[%swap3A_143, %swap3A_144], %swap3A_147 {strides = array<i32>} : memref<120x128xf32, #tpu.memory_space<vmem>>, vector<1x16xf32>,
      %swap3A_148 = arith.index_cast %scan3A_117 : i32 to index
      %swap3A_149 = arith.constant 96 : index
      %swap3A_150 = tpu.vector_load %arg12[%swap3A_148, %swap3A_149] {strides = array<i32>} : memref<120x128xf32, #tpu.memory_space<vmem>>, vector<1x16xf32>,
      %swap3A_151 = vector.shape_cast %swap3A_150 : vector<1x16xf32> to vector<16xf32>
      %swap3A_152 = vector.shape_cast %broadcast_in_dim3A_8 : vector<16xf32> to vector<1x16xf32>
      tpu.vector_store %arg12[%swap3A_148, %swap3A_149], %swap3A_152 {strides = array<i32>} : memref<120x128xf32, #tpu.memory_space<vmem>>, vector<1x16xf32>,
      %swap3A_153 = arith.index_cast %scan3A_117 : i32 to index
      %swap3A_154 = arith.constant 112 : index
      %swap3A_155 = tpu.vector_load %arg12[%swap3A_153, %swap3A_154] {strides = array<i32>} : memref<120x128xf32, #tpu.memory_space<vmem>>, vector<1x16xf32>,
      %swap3A_156 = vector.shape_cast %swap3A_155 : vector<1x16xf32> to vector<16xf32>
      %swap3A_157 = vector.shape_cast %broadcast_in_dim3A_8 : vector<16xf32> to vector<1x16xf32>
      tpu.vector_store %arg12[%swap3A_153, %swap3A_154], %swap3A_157 {strides = array<i32>} : memref<120x128xf32, #tpu.memory_space<vmem>>, vector<1x16xf32>,
      %scan3A_158 = arith.constant 2 : i32
      %scan3A_159 = arith.addi %scan3A_76, %scan3A_158 : i32
      %swap3A_160 = arith.index_cast %scan3A_159 : i32 to index
      %swap3A_161 = arith.constant 0 : index
      %swap3A_162 = tpu.vector_load %arg12[%swap3A_160, %swap3A_161] {strides = array<i32>} : memref<120x128xf32, #tpu.memory_space<vmem>>, vector<1x16xf32>,
      %swap3A_163 = vector.shape_cast %swap3A_162 : vector<1x16xf32> to vector<16xf32>
      %swap3A_164 = vector.shape_cast %broadcast_in_dim3A_8 : vector<16xf32> to vector<1x16xf32>
      tpu.vector_store %arg12[%swap3A_160, %swap3A_161], %swap3A_164 {strides = array<i32>} : memref<120x128xf32, #tpu.memory_space<vmem>>, vector<1x16xf32>,
      %swap3A_165 = arith.index_cast %scan3A_159 : i32 to index
      %swap3A_166 = arith.constant 16 : index
      %swap3A_167 = tpu.vector_load %arg12[%swap3A_165, %swap3A_166] {strides = array<i32>} : memref<120x128xf32, #tpu.memory_space<vmem>>, vector<1x16xf32>,
      %swap3A_168 = vector.shape_cast %swap3A_167 : vector<1x16xf32> to vector<16xf32>
      %swap3A_169 = vector.shape_cast %broadcast_in_dim3A_8 : vector<16xf32> to vector<1x16xf32>
      tpu.vector_store %arg12[%swap3A_165, %swap3A_166], %swap3A_169 {strides = array<i32>} : memref<120x128xf32, #tpu.memory_space<vmem>>, vector<1x16xf32>,
      %swap3A_170 = arith.index_cast %scan3A_159 : i32 to index
      %swap3A_171 = arith.constant 32 : index
      %swap3A_172 = tpu.vector_load %arg12[%swap3A_170, %swap3A_171] {strides = array<i32>} : memref<120x128xf32, #tpu.memory_space<vmem>>, vector<1x16xf32>,
      %swap3A_173 = vector.shape_cast %swap3A_172 : vector<1x16xf32> to vector<16xf32>
      %swap3A_174 = vector.shape_cast %broadcast_in_dim3A_8 : vector<16xf32> to vector<1x16xf32>
      tpu.vector_store %arg12[%swap3A_170, %swap3A_171], %swap3A_174 {strides = array<i32>} : memref<120x128xf32, #tpu.memory_space<vmem>>, vector<1x16xf32>,
      %swap3A_175 = arith.index_cast %scan3A_159 : i32 to index
      %swap3A_176 = arith.constant 48 : index
      %swap3A_177 = tpu.vector_load %arg12[%swap3A_175, %swap3A_176] {strides = array<i32>} : memref<120x128xf32, #tpu.memory_space<vmem>>, vector<1x16xf32>,
      %swap3A_178 = vector.shape_cast %swap3A_177 : vector<1x16xf32> to vector<16xf32>
      %swap3A_179 = vector.shape_cast %broadcast_in_dim3A_8 : vector<16xf32> to vector<1x16xf32>
      tpu.vector_store %arg12[%swap3A_175, %swap3A_176], %swap3A_179 {strides = array<i32>} : memref<120x128xf32, #tpu.memory_space<vmem>>, vector<1x16xf32>,
      %swap3A_180 = arith.index_cast %scan3A_159 : i32 to index
      %swap3A_181 = arith.constant 64 : index
      %swap3A_182 = tpu.vector_load %arg12[%swap3A_180, %swap3A_181] {strides = array<i32>} : memref<120x128xf32, #tpu.memory_space<vmem>>, vector<1x16xf32>,
      %swap3A_183 = vector.shape_cast %swap3A_182 : vector<1x16xf32> to vector<16xf32>
      %swap3A_184 = vector.shape_cast %broadcast_in_dim3A_8 : vector<16xf32> to vector<1x16xf32>
      tpu.vector_store %arg12[%swap3A_180, %swap3A_181], %swap3A_184 {strides = array<i32>} : memref<120x128xf32, #tpu.memory_space<vmem>>, vector<1x16xf32>,
      %swap3A_185 = arith.index_cast %scan3A_159 : i32 to index
      %swap3A_186 = arith.constant 80 : index
      %swap3A_187 = tpu.vector_load %arg12[%swap3A_185, %swap3A_186] {strides = array<i32>} : memref<120x128xf32, #tpu.memory_space<vmem>>, vector<1x16xf32>,
      %swap3A_188 = vector.shape_cast %swap3A_187 : vector<1x16xf32> to vector<16xf32>
      %swap3A_189 = vector.shape_cast %broadcast_in_dim3A_8 : vector<16xf32> to vector<1x16xf32>
      tpu.vector_store %arg12[%swap3A_185, %swap3A_186], %swap3A_189 {strides = array<i32>} : memref<120x128xf32, #tpu.memory_space<vmem>>, vector<1x16xf32>,
      %swap3A_190 = arith.index_cast %scan3A_159 : i32 to index
      %swap3A_191 = arith.constant 96 : index
      %swap3A_192 = tpu.vector_load %arg12[%swap3A_190, %swap3A_191] {strides = array<i32>} : memref<120x128xf32, #tpu.memory_space<vmem>>, vector<1x16xf32>,
      %swap3A_193 = vector.shape_cast %swap3A_192 : vector<1x16xf32> to vector<16xf32>
      %swap3A_194 = vector.shape_cast %broadcast_in_dim3A_8 : vector<16xf32> to vector<1x16xf32>
      tpu.vector_store %arg12[%swap3A_190, %swap3A_191], %swap3A_194 {strides = array<i32>} : memref<120x128xf32, #tpu.memory_space<vmem>>, vector<1x16xf32>,
      %swap3A_195 = arith.index_cast %scan3A_159 : i32 to index
      %swap3A_196 = arith.constant 112 : index
      %swap3A_197 = tpu.vector_load %arg12[%swap3A_195, %swap3A_196] {strides = array<i32>} : memref<120x128xf32, #tpu.memory_space<vmem>>, vector<1x16xf32>,
      %swap3A_198 = vector.shape_cast %swap3A_197 : vector<1x16xf32> to vector<16xf32>
      %swap3A_199 = vector.shape_cast %broadcast_in_dim3A_8 : vector<16xf32> to vector<1x16xf32>
      tpu.vector_store %arg12[%swap3A_195, %swap3A_196], %swap3A_199 {strides = array<i32>} : memref<120x128xf32, #tpu.memory_space<vmem>>, vector<1x16xf32>,
      %scan3A_200 = arith.constant 3 : i32
      %scan3A_201 = arith.addi %scan3A_76, %scan3A_200 : i32
      %swap3A_202 = arith.index_cast %scan3A_201 : i32 to index
      %swap3A_203 = arith.constant 0 : index
      %swap3A_204 = tpu.vector_load %arg12[%swap3A_202, %swap3A_203] {strides = array<i32>} : memref<120x128xf32, #tpu.memory_space<vmem>>, vector<1x16xf32>,
      %swap3A_205 = vector.shape_cast %swap3A_204 : vector<1x16xf32> to vector<16xf32>
      %swap3A_206 = vector.shape_cast %broadcast_in_dim3A_8 : vector<16xf32> to vector<1x16xf32>
      tpu.vector_store %arg12[%swap3A_202, %swap3A_203], %swap3A_206 {strides = array<i32>} : memref<120x128xf32, #tpu.memory_space<vmem>>, vector<1x16xf32>,
      %swap3A_207 = arith.index_cast %scan3A_201 : i32 to index
      %swap3A_208 = arith.constant 16 : index
      %swap3A_209 = tpu.vector_load %arg12[%swap3A_207, %swap3A_208] {strides = array<i32>} : memref<120x128xf32, #tpu.memory_space<vmem>>, vector<1x16xf32>,
      %swap3A_210 = vector.shape_cast %swap3A_209 : vector<1x16xf32> to vector<16xf32>
      %swap3A_211 = vector.shape_cast %broadcast_in_dim3A_8 : vector<16xf32> to vector<1x16xf32>
      tpu.vector_store %arg12[%swap3A_207, %swap3A_208], %swap3A_211 {strides = array<i32>} : memref<120x128xf32, #tpu.memory_space<vmem>>, vector<1x16xf32>,
      %swap3A_212 = arith.index_cast %scan3A_201 : i32 to index
      %swap3A_213 = arith.constant 32 : index
      %swap3A_214 = tpu.vector_load %arg12[%swap3A_212, %swap3A_213] {strides = array<i32>} : memref<120x128xf32, #tpu.memory_space<vmem>>, vector<1x16xf32>,
      %swap3A_215 = vector.shape_cast %swap3A_214 : vector<1x16xf32> to vector<16xf32>
      %swap3A_216 = vector.shape_cast %broadcast_in_dim3A_8 : vector<16xf32> to vector<1x16xf32>
      tpu.vector_store %arg12[%swap3A_212, %swap3A_213], %swap3A_216 {strides = array<i32>} : memref<120x128xf32, #tpu.memory_space<vmem>>, vector<1x16xf32>,
      %swap3A_217 = arith.index_cast %scan3A_201 : i32 to index
      %swap3A_218 = arith.constant 48 : index
      %swap3A_219 = tpu.vector_load %arg12[%swap3A_217, %swap3A_218] {strides = array<i32>} : memref<120x128xf32, #tpu.memory_space<vmem>>, vector<1x16xf32>,
      %swap3A_220 = vector.shape_cast %swap3A_219 : vector<1x16xf32> to vector<16xf32>
      %swap3A_221 = vector.shape_cast %broadcast_in_dim3A_8 : vector<16xf32> to vector<1x16xf32>
      tpu.vector_store %arg12[%swap3A_217, %swap3A_218], %swap3A_221 {strides = array<i32>} : memref<120x128xf32, #tpu.memory_space<vmem>>, vector<1x16xf32>,
      %swap3A_222 = arith.index_cast %scan3A_201 : i32 to index
      %swap3A_223 = arith.constant 64 : index
      %swap3A_224 = tpu.vector_load %arg12[%swap3A_222, %swap3A_223] {strides = array<i32>} : memref<120x128xf32, #tpu.memory_space<vmem>>, vector<1x16xf32>,
      %swap3A_225 = vector.shape_cast %swap3A_224 : vector<1x16xf32> to vector<16xf32>
      %swap3A_226 = vector.shape_cast %broadcast_in_dim3A_8 : vector<16xf32> to vector<1x16xf32>
      tpu.vector_store %arg12[%swap3A_222, %swap3A_223], %swap3A_226 {strides = array<i32>} : memref<120x128xf32, #tpu.memory_space<vmem>>, vector<1x16xf32>,
      %swap3A_227 = arith.index_cast %scan3A_201 : i32 to index
      %swap3A_228 = arith.constant 80 : index
      %swap3A_229 = tpu.vector_load %arg12[%swap3A_227, %swap3A_228] {strides = array<i32>} : memref<120x128xf32, #tpu.memory_space<vmem>>, vector<1x16xf32>,
      %swap3A_230 = vector.shape_cast %swap3A_229 : vector<1x16xf32> to vector<16xf32>
      %swap3A_231 = vector.shape_cast %broadcast_in_dim3A_8 : vector<16xf32> to vector<1x16xf32>
      tpu.vector_store %arg12[%swap3A_227, %swap3A_228], %swap3A_231 {strides = array<i32>} : memref<120x128xf32, #tpu.memory_space<vmem>>, vector<1x16xf32>,
      %swap3A_232 = arith.index_cast %scan3A_201 : i32 to index
      %swap3A_233 = arith.constant 96 : index
      %swap3A_234 = tpu.vector_load %arg12[%swap3A_232, %swap3A_233] {strides = array<i32>} : memref<120x128xf32, #tpu.memory_space<vmem>>, vector<1x16xf32>,
      %swap3A_235 = vector.shape_cast %swap3A_234 : vector<1x16xf32> to vector<16xf32>
      %swap3A_236 = vector.shape_cast %broadcast_in_dim3A_8 : vector<16xf32> to vector<1x16xf32>
      tpu.vector_store %arg12[%swap3A_232, %swap3A_233], %swap3A_236 {strides = array<i32>} : memref<120x128xf32, #tpu.memory_space<vmem>>, vector<1x16xf32>,
      %swap3A_237 = arith.index_cast %scan3A_201 : i32 to index
      %swap3A_238 = arith.constant 112 : index
      %swap3A_239 = tpu.vector_load %arg12[%swap3A_237, %swap3A_238] {strides = array<i32>} : memref<120x128xf32, #tpu.memory_space<vmem>>, vector<1x16xf32>,
      %swap3A_240 = vector.shape_cast %swap3A_239 : vector<1x16xf32> to vector<16xf32>
      %swap3A_241 = vector.shape_cast %broadcast_in_dim3A_8 : vector<16xf32> to vector<1x16xf32>
      tpu.vector_store %arg12[%swap3A_237, %swap3A_238], %swap3A_241 {strides = array<i32>} : memref<120x128xf32, #tpu.memory_space<vmem>>, vector<1x16xf32>,
    }
    %scan3A_12 = arith.constant 120 : i32
    %mul3A_13 = arith.constant 632 : i32
    %mul3A_14 = arith.muli %arg1, %mul3A_13 : i32
    %add3A_15 = arith.constant 0 : i32
    %add3A_16 = arith.addi %mul3A_14, %add3A_15 : i32
    "tpu.region"() ({
      %run_scoped3A = tpu.sem_alloc : memref<!tpu.dma_semaphore, #tpu.memory_space<semaphore_mem>>
      %dma_start3A_76 = arith.constant 0 : i32
      %dma_start3A_77 = tpu.memref_slice %arg15[%add3A_16, %dma_start3A_76] : memref<10112x128xf32, #tpu.memory_space<vmem_shared>> -> memref<120x128xf32, #tpu.memory_space<vmem_shared>>
      %dma_start3A_78 = arith.constant 0 : i32
      %dma_start3A_79 = tpu.memref_slice %arg15[%add3A_16, %dma_start3A_78] : memref<10112x128xf32, #tpu.memory_space<vmem_shared>> -> memref<120x128xf32, #tpu.memory_space<vmem_shared>>
      tpu.enqueue_dma source(%arg12 : memref<120x128xf32, #tpu.memory_space<vmem>>) target(%dma_start3A_79 : memref<120x128xf32, #tpu.memory_space<vmem_shared>>) target_semaphore(%run_scoped3A : memref<!tpu.dma_semaphore, #tpu.memory_space<semaphore_mem>>)
      %dma_wait3A_80 = arith.constant 0 : i32
      %dma_wait3A_81 = tpu.memref_slice %arg15[%add3A_16, %dma_wait3A_80] : memref<10112x128xf32, #tpu.memory_space<vmem_shared>> -> memref<120x128xf32, #tpu.memory_space<vmem_shared>>
      %dma_wait3A_82 = arith.constant 0 : i32
      %dma_wait3A_83 = tpu.memref_slice %arg15[%add3A_16, %dma_wait3A_82] : memref<10112x128xf32, #tpu.memory_space<vmem_shared>> -> memref<120x128xf32, #tpu.memory_space<vmem_shared>>
      tpu.wait_dma2 semaphore(%run_scoped3A : memref<!tpu.dma_semaphore, #tpu.memory_space<semaphore_mem>>) src(%arg12 : memref<120x128xf32, #tpu.memory_space<vmem>>) dst(%dma_wait3A_83 : memref<120x128xf32, #tpu.memory_space<vmem_shared>>)
      tpu.yield
    }) : () -> ()
    %add3A_17 = arith.constant 120 : i32
    %add3A_18 = arith.addi %mul3A_14, %add3A_17 : i32
    "tpu.region"() ({
      %run_scoped3A = tpu.sem_alloc : memref<!tpu.dma_semaphore, #tpu.memory_space<semaphore_mem>>
      %dma_start3A_76 = arith.constant 0 : i32
      %dma_start3A_77 = tpu.memref_slice %arg15[%add3A_18, %dma_start3A_76] : memref<10112x128xf32, #tpu.memory_space<vmem_shared>> -> memref<120x128xf32, #tpu.memory_space<vmem_shared>>
      %dma_start3A_78 = arith.constant 0 : i32
      %dma_start3A_79 = tpu.memref_slice %arg15[%add3A_18, %dma_start3A_78] : memref<10112x128xf32, #tpu.memory_space<vmem_shared>> -> memref<120x128xf32, #tpu.memory_space<vmem_shared>>
      tpu.enqueue_dma source(%arg12 : memref<120x128xf32, #tpu.memory_space<vmem>>) target(%dma_start3A_79 : memref<120x128xf32, #tpu.memory_space<vmem_shared>>) target_semaphore(%run_scoped3A : memref<!tpu.dma_semaphore, #tpu.memory_space<semaphore_mem>>)
      %dma_wait3A_80 = arith.constant 0 : i32
      %dma_wait3A_81 = tpu.memref_slice %arg15[%add3A_18, %dma_wait3A_80] : memref<10112x128xf32, #tpu.memory_space<vmem_shared>> -> memref<120x128xf32, #tpu.memory_space<vmem_shared>>
      %dma_wait3A_82 = arith.constant 0 : i32
      %dma_wait3A_83 = tpu.memref_slice %arg15[%add3A_18, %dma_wait3A_82] : memref<10112x128xf32, #tpu.memory_space<vmem_shared>> -> memref<120x128xf32, #tpu.memory_space<vmem_shared>>
      tpu.wait_dma2 semaphore(%run_scoped3A : memref<!tpu.dma_semaphore, #tpu.memory_space<semaphore_mem>>) src(%arg12 : memref<120x128xf32, #tpu.memory_space<vmem>>) dst(%dma_wait3A_83 : memref<120x128xf32, #tpu.memory_space<vmem_shared>>)
      tpu.yield
    }) : () -> ()
    %add3A_19 = arith.constant 240 : i32
    %add3A_20 = arith.addi %mul3A_14, %add3A_19 : i32
    "tpu.region"() ({
      %run_scoped3A = tpu.sem_alloc : memref<!tpu.dma_semaphore, #tpu.memory_space<semaphore_mem>>
      %dma_start3A_76 = arith.constant 0 : i32
      %dma_start3A_77 = tpu.memref_slice %arg15[%add3A_20, %dma_start3A_76] : memref<10112x128xf32, #tpu.memory_space<vmem_shared>> -> memref<120x128xf32, #tpu.memory_space<vmem_shared>>
      %dma_start3A_78 = arith.constant 0 : i32
      %dma_start3A_79 = tpu.memref_slice %arg15[%add3A_20, %dma_start3A_78] : memref<10112x128xf32, #tpu.memory_space<vmem_shared>> -> memref<120x128xf32, #tpu.memory_space<vmem_shared>>
      tpu.enqueue_dma source(%arg12 : memref<120x128xf32, #tpu.memory_space<vmem>>) target(%dma_start3A_79 : memref<120x128xf32, #tpu.memory_space<vmem_shared>>) target_semaphore(%run_scoped3A : memref<!tpu.dma_semaphore, #tpu.memory_space<semaphore_mem>>)
      %dma_wait3A_80 = arith.constant 0 : i32
      %dma_wait3A_81 = tpu.memref_slice %arg15[%add3A_20, %dma_wait3A_80] : memref<10112x128xf32, #tpu.memory_space<vmem_shared>> -> memref<120x128xf32, #tpu.memory_space<vmem_shared>>
      %dma_wait3A_82 = arith.constant 0 : i32
      %dma_wait3A_83 = tpu.memref_slice %arg15[%add3A_20, %dma_wait3A_82] : memref<10112x128xf32, #tpu.memory_space<vmem_shared>> -> memref<120x128xf32, #tpu.memory_space<vmem_shared>>
      tpu.wait_dma2 semaphore(%run_scoped3A : memref<!tpu.dma_semaphore, #tpu.memory_space<semaphore_mem>>) src(%arg12 : memref<120x128xf32, #tpu.memory_space<vmem>>) dst(%dma_wait3A_83 : memref<120x128xf32, #tpu.memory_space<vmem_shared>>)
      tpu.yield
    }) : () -> ()
    %add3A_21 = arith.constant 360 : i32
    %add3A_22 = arith.addi %mul3A_14, %add3A_21 : i32
    "tpu.region"() ({
      %run_scoped3A = tpu.sem_alloc : memref<!tpu.dma_semaphore, #tpu.memory_space<semaphore_mem>>
      %dma_start3A_76 = arith.constant 0 : i32
      %dma_start3A_77 = tpu.memref_slice %arg15[%add3A_22, %dma_start3A_76] : memref<10112x128xf32, #tpu.memory_space<vmem_shared>> -> memref<120x128xf32, #tpu.memory_space<vmem_shared>>
      %dma_start3A_78 = arith.constant 0 : i32
      %dma_start3A_79 = tpu.memref_slice %arg15[%add3A_22, %dma_start3A_78] : memref<10112x128xf32, #tpu.memory_space<vmem_shared>> -> memref<120x128xf32, #tpu.memory_space<vmem_shared>>
      tpu.enqueue_dma source(%arg12 : memref<120x128xf32, #tpu.memory_space<vmem>>) target(%dma_start3A_79 : memref<120x128xf32, #tpu.memory_space<vmem_shared>>) target_semaphore(%run_scoped3A : memref<!tpu.dma_semaphore, #tpu.memory_space<semaphore_mem>>)
      %dma_wait3A_80 = arith.constant 0 : i32
      %dma_wait3A_81 = tpu.memref_slice %arg15[%add3A_22, %dma_wait3A_80] : memref<10112x128xf32, #tpu.memory_space<vmem_shared>> -> memref<120x128xf32, #tpu.memory_space<vmem_shared>>
      %dma_wait3A_82 = arith.constant 0 : i32
      %dma_wait3A_83 = tpu.memref_slice %arg15[%add3A_22, %dma_wait3A_82] : memref<10112x128xf32, #tpu.memory_space<vmem_shared>> -> memref<120x128xf32, #tpu.memory_space<vmem_shared>>
      tpu.wait_dma2 semaphore(%run_scoped3A : memref<!tpu.dma_semaphore, #tpu.memory_space<semaphore_mem>>) src(%arg12 : memref<120x128xf32, #tpu.memory_space<vmem>>) dst(%dma_wait3A_83 : memref<120x128xf32, #tpu.memory_space<vmem_shared>>)
      tpu.yield
    }) : () -> ()
    %add3A_23 = arith.constant 480 : i32
    %add3A_24 = arith.addi %mul3A_14, %add3A_23 : i32
    "tpu.region"() ({
      %run_scoped3A = tpu.sem_alloc : memref<!tpu.dma_semaphore, #tpu.memory_space<semaphore_mem>>
      %dma_start3A_76 = arith.constant 0 : i32
      %dma_start3A_77 = tpu.memref_slice %arg15[%add3A_24, %dma_start3A_76] : memref<10112x128xf32, #tpu.memory_space<vmem_shared>> -> memref<120x128xf32, #tpu.memory_space<vmem_shared>>
      %dma_start3A_78 = arith.constant 0 : i32
      %dma_start3A_79 = tpu.memref_slice %arg15[%add3A_24, %dma_start3A_78] : memref<10112x128xf32, #tpu.memory_space<vmem_shared>> -> memref<120x128xf32, #tpu.memory_space<vmem_shared>>
      tpu.enqueue_dma source(%arg12 : memref<120x128xf32, #tpu.memory_space<vmem>>) target(%dma_start3A_79 : memref<120x128xf32, #tpu.memory_space<vmem_shared>>) target_semaphore(%run_scoped3A : memref<!tpu.dma_semaphore, #tpu.memory_space<semaphore_mem>>)
      %dma_wait3A_80 = arith.constant 0 : i32
      %dma_wait3A_81 = tpu.memref_slice %arg15[%add3A_24, %dma_wait3A_80] : memref<10112x128xf32, #tpu.memory_space<vmem_shared>> -> memref<120x128xf32, #tpu.memory_space<vmem_shared>>
      %dma_wait3A_82 = arith.constant 0 : i32
      %dma_wait3A_83 = tpu.memref_slice %arg15[%add3A_24, %dma_wait3A_82] : memref<10112x128xf32, #tpu.memory_space<vmem_shared>> -> memref<120x128xf32, #tpu.memory_space<vmem_shared>>
      tpu.wait_dma2 semaphore(%run_scoped3A : memref<!tpu.dma_semaphore, #tpu.memory_space<semaphore_mem>>) src(%arg12 : memref<120x128xf32, #tpu.memory_space<vmem>>) dst(%dma_wait3A_83 : memref<120x128xf32, #tpu.memory_space<vmem_shared>>)
      tpu.yield
    }) : () -> ()
    %add3A_25 = arith.constant 600 : i32
    %add3A_26 = arith.addi %mul3A_14, %add3A_25 : i32
    "tpu.region"() ({
      %run_scoped3A = tpu.sem_alloc : memref<!tpu.dma_semaphore, #tpu.memory_space<semaphore_mem>>
      %dma_start3A_76 = arith.constant 0 : i32
      %dma_start3A_77 = arith.constant 0 : i32
      %dma_start3A_78 = tpu.memref_slice %arg12[%dma_start3A_76, %dma_start3A_77] : memref<120x128xf32, #tpu.memory_space<vmem>> -> memref<32x128xf32, #tpu.memory_space<vmem>>
      %dma_start3A_79 = arith.constant 0 : i32
      %dma_start3A_80 = tpu.memref_slice %arg15[%add3A_26, %dma_start3A_79] : memref<10112x128xf32, #tpu.memory_space<vmem_shared>> -> memref<32x128xf32, #tpu.memory_space<vmem_shared>>
      %dma_start3A_81 = arith.constant 0 : i32
      %dma_start3A_82 = tpu.memref_slice %arg15[%add3A_26, %dma_start3A_81] : memref<10112x128xf32, #tpu.memory_space<vmem_shared>> -> memref<32x128xf32, #tpu.memory_space<vmem_shared>>
      %dma_start3A_83 = arith.constant 0 : i32
      %dma_start3A_84 = arith.constant 0 : i32
      %dma_start3A_85 = tpu.memref_slice %arg12[%dma_start3A_83, %dma_start3A_84] : memref<120x128xf32, #tpu.memory_space<vmem>> -> memref<32x128xf32, #tpu.memory_space<vmem>>
      tpu.enqueue_dma source(%dma_start3A_85 : memref<32x128xf32, #tpu.memory_space<vmem>>) target(%dma_start3A_82 : memref<32x128xf32, #tpu.memory_space<vmem_shared>>) target_semaphore(%run_scoped3A : memref<!tpu.dma_semaphore, #tpu.memory_space<semaphore_mem>>)
      %dma_wait3A_86 = arith.constant 0 : i32
      %dma_wait3A_87 = arith.constant 0 : i32
      %dma_wait3A_88 = tpu.memref_slice %arg12[%dma_wait3A_86, %dma_wait3A_87] : memref<120x128xf32, #tpu.memory_space<vmem>> -> memref<32x128xf32, #tpu.memory_space<vmem>>
      %dma_wait3A_89 = arith.constant 0 : i32
      %dma_wait3A_90 = tpu.memref_slice %arg15[%add3A_26, %dma_wait3A_89] : memref<10112x128xf32, #tpu.memory_space<vmem_shared>> -> memref<32x128xf32, #tpu.memory_space<vmem_shared>>
      %dma_wait3A_91 = arith.constant 0 : i32
      %dma_wait3A_92 = tpu.memref_slice %arg15[%add3A_26, %dma_wait3A_91] : memref<10112x128xf32, #tpu.memory_space<vmem_shared>> -> memref<32x128xf32, #tpu.memory_space<vmem_shared>>
      %dma_wait3A_93 = arith.constant 0 : i32
      %dma_wait3A_94 = arith.constant 0 : i32
      %dma_wait3A_95 = tpu.memref_slice %arg12[%dma_wait3A_93, %dma_wait3A_94] : memref<120x128xf32, #tpu.memory_space<vmem>> -> memref<32x128xf32, #tpu.memory_space<vmem>>
      tpu.wait_dma2 semaphore(%run_scoped3A : memref<!tpu.dma_semaphore, #tpu.memory_space<semaphore_mem>>) src(%dma_wait3A_95 : memref<32x128xf32, #tpu.memory_space<vmem>>) dst(%dma_wait3A_92 : memref<32x128xf32, #tpu.memory_space<vmem_shared>>)
      tpu.yield
    }) : () -> ()
    %barrier3A = arith.constant 0 : index
    tpu.barrier barrier_id(%barrier3A)
    %dma_wait3A = arith.constant 0 : i32
    %dma_wait3A_27 = tpu.memref_slice %arg3[%dma_wait3A] : memref<322560xi32, #tpu.memory_space<hbm>> -> memref<120xi32, #tpu.memory_space<hbm>>
    %dma_wait3A_28 = arith.constant 0 : i32
    %dma_wait3A_29 = tpu.memref_slice %arg3[%dma_wait3A_28] : memref<322560xi32, #tpu.memory_space<hbm>> -> memref<120xi32, #tpu.memory_space<hbm>>
    tpu.wait_dma2 semaphore(%arg16 : memref<!tpu.dma_semaphore, #tpu.memory_space<semaphore_mem>>) src(%dma_wait3A_29 : memref<120xi32, #tpu.memory_space<hbm>>) dst(%arg6 : memref<120xi32, #tpu.memory_space<vmem>>)
    %dma_wait3A_30 = arith.constant 0 : i32
    %dma_wait3A_31 = tpu.memref_slice %arg4[%dma_wait3A_30] : memref<322560xi32, #tpu.memory_space<hbm>> -> memref<120xi32, #tpu.memory_space<hbm>>
    %dma_wait3A_32 = arith.constant 0 : i32
    %dma_wait3A_33 = tpu.memref_slice %arg4[%dma_wait3A_32] : memref<322560xi32, #tpu.memory_space<hbm>> -> memref<120xi32, #tpu.memory_space<hbm>>
    tpu.wait_dma2 semaphore(%arg16 : memref<!tpu.dma_semaphore, #tpu.memory_space<semaphore_mem>>) src(%dma_wait3A_33 : memref<120xi32, #tpu.memory_space<hbm>>) dst(%arg9 : memref<120xi32, #tpu.memory_space<vmem>>)
    %dma_start3A_34 = arith.constant 0 : i32
    %dma_start3A_35 = arith.constant 0 : i32
    %dma_start3A_36 = tpu.memref_slice %arg2[%dma_start3A_34, %dma_start3A_35] : memref<10000x128xf32, #tpu.memory_space<hbm>> -> memref<10000x128xf32, #tpu.memory_space<hbm>>
    tpu.enqueue_indirect_dma source(%dma_start3A_36 : memref<10000x128xf32, #tpu.memory_space<hbm>>) target(%arg12 : memref<120x128xf32, #tpu.memory_space<vmem>>) offsets(%arg6 : memref<120xi32, #tpu.memory_space<vmem>>) semaphore(%arg19 : memref<!tpu.dma_semaphore, #tpu.memory_space<semaphore_mem>>)
    %add3A_37 = arith.constant 120 : i32
    %add3A_38 = arith.addi %mul3A_2, %add3A_37 : i32
    %multiple_of3A_39 = tpu.assume_multiple %add3A_38, 8 : i32
    %dma_start3A_40 = tpu.memref_slice %arg3[%multiple_of3A_39] : memref<322560xi32, #tpu.memory_space<hbm>> -> memref<120xi32, #tpu.memory_space<hbm>>
    %dma_start3A_41 = tpu.memref_slice %arg3[%multiple_of3A_39] : memref<322560xi32, #tpu.memory_space<hbm>> -> memref<120xi32, #tpu.memory_space<hbm>>
    tpu.enqueue_dma source(%dma_start3A_41 : memref<120xi32, #tpu.memory_space<hbm>>) target(%arg7 : memref<120xi32, #tpu.memory_space<vmem>>) target_semaphore(%arg17 : memref<!tpu.dma_semaphore, #tpu.memory_space<semaphore_mem>>)
    %dma_start3A_42 = tpu.memref_slice %arg4[%multiple_of3A_39] : memref<322560xi32, #tpu.memory_space<hbm>> -> memref<120xi32, #tpu.memory_space<hbm>>
    %dma_start3A_43 = tpu.memref_slice %arg4[%multiple_of3A_39] : memref<322560xi32, #tpu.memory_space<hbm>> -> memref<120xi32, #tpu.memory_space<hbm>>
    tpu.enqueue_dma source(%dma_start3A_43 : memref<120xi32, #tpu.memory_space<hbm>>) target(%arg10 : memref<120xi32, #tpu.memory_space<vmem>>) target_semaphore(%arg17 : memref<!tpu.dma_semaphore, #tpu.memory_space<semaphore_mem>>)
    %add3A_44 = arith.constant 240 : i32
    %add3A_45 = arith.addi %mul3A_2, %add3A_44 : i32
    %multiple_of3A_46 = tpu.assume_multiple %add3A_45, 8 : i32
    %dma_start3A_47 = tpu.memref_slice %arg3[%multiple_of3A_46] : memref<322560xi32, #tpu.memory_space<hbm>> -> memref<120xi32, #tpu.memory_space<hbm>>
    %dma_start3A_48 = tpu.memref_slice %arg3[%multiple_of3A_46] : memref<322560xi32, #tpu.memory_space<hbm>> -> memref<120xi32, #tpu.memory_space<hbm>>
    tpu.enqueue_dma source(%dma_start3A_48 : memref<120xi32, #tpu.memory_space<hbm>>) target(%arg8 : memref<120xi32, #tpu.memory_space<vmem>>) target_semaphore(%arg18 : memref<!tpu.dma_semaphore, #tpu.memory_space<semaphore_mem>>)
    %dma_start3A_49 = tpu.memref_slice %arg4[%multiple_of3A_46] : memref<322560xi32, #tpu.memory_space<hbm>> -> memref<120xi32, #tpu.memory_space<hbm>>
    %dma_start3A_50 = tpu.memref_slice %arg4[%multiple_of3A_46] : memref<322560xi32, #tpu.memory_space<hbm>> -> memref<120xi32, #tpu.memory_space<hbm>>
    tpu.enqueue_dma source(%dma_start3A_50 : memref<120xi32, #tpu.memory_space<hbm>>) target(%arg11 : memref<120xi32, #tpu.memory_space<vmem>>) target_semaphore(%arg18 : memref<!tpu.dma_semaphore, #tpu.memory_space<semaphore_mem>>)
    %scan3A_51 = arith.constant 0 : i32
    %scan3A_52 = arith.constant 14 : i32
    %scan3A_53 = arith.addi %scan3A_51, %scan3A_52 : i32
    %scan3A_54 = arith.constant 1 : i32
    scf.for %scan3A_76 = %scan3A_51 to %scan3A_53 step %scan3A_54  : i32 {
      %mul3A_77 = arith.constant 6 : i32
      %mul3A_78 = arith.muli %mul3A_77, %scan3A_76 : i32
      %add3A_79 = arith.constant 0 : i32
      %add3A_80 = arith.addi %mul3A_78, %add3A_79 : i32
      %dma_wait3A_81 = arith.constant 0 : i32
      %dma_wait3A_82 = tpu.memref_slice %arg3[%dma_wait3A_81] : memref<322560xi32, #tpu.memory_space<hbm>> -> memref<120xi32, #tpu.memory_space<hbm>>
      %dma_wait3A_83 = arith.constant 0 : i32
      %dma_wait3A_84 = tpu.memref_slice %arg3[%dma_wait3A_83] : memref<322560xi32, #tpu.memory_space<hbm>> -> memref<120xi32, #tpu.memory_space<hbm>>
      tpu.wait_dma2 semaphore(%arg17 : memref<!tpu.dma_semaphore, #tpu.memory_space<semaphore_mem>>) src(%dma_wait3A_84 : memref<120xi32, #tpu.memory_space<hbm>>) dst(%arg7 : memref<120xi32, #tpu.memory_space<vmem>>)
      %dma_wait3A_85 = arith.constant 0 : i32
      %dma_wait3A_86 = tpu.memref_slice %arg4[%dma_wait3A_85] : memref<322560xi32, #tpu.memory_space<hbm>> -> memref<120xi32, #tpu.memory_space<hbm>>
      %dma_wait3A_87 = arith.constant 0 : i32
      %dma_wait3A_88 = tpu.memref_slice %arg4[%dma_wait3A_87] : memref<322560xi32, #tpu.memory_space<hbm>> -> memref<120xi32, #tpu.memory_space<hbm>>
      tpu.wait_dma2 semaphore(%arg17 : memref<!tpu.dma_semaphore, #tpu.memory_space<semaphore_mem>>) src(%dma_wait3A_88 : memref<120xi32, #tpu.memory_space<hbm>>) dst(%arg10 : memref<120xi32, #tpu.memory_space<vmem>>)
      %dma_start3A_89 = arith.constant 0 : i32
      %dma_start3A_90 = arith.constant 0 : i32
      %dma_start3A_91 = tpu.memref_slice %arg2[%dma_start3A_89, %dma_start3A_90] : memref<10000x128xf32, #tpu.memory_space<hbm>> -> memref<10000x128xf32, #tpu.memory_space<hbm>>
      tpu.enqueue_indirect_dma source(%dma_start3A_91 : memref<10000x128xf32, #tpu.memory_space<hbm>>) target(%arg13 : memref<120x128xf32, #tpu.memory_space<vmem>>) offsets(%arg7 : memref<120xi32, #tpu.memory_space<vmem>>) semaphore(%arg20 : memref<!tpu.dma_semaphore, #tpu.memory_space<semaphore_mem>>)
      %dma_wait3A_92 = arith.constant 0 : i32
      %dma_wait3A_93 = arith.constant 0 : i32
      %dma_wait3A_94 = tpu.memref_slice %arg2[%dma_wait3A_92, %dma_wait3A_93] : memref<10000x128xf32, #tpu.memory_space<hbm>> -> memref<10000x128xf32, #tpu.memory_space<hbm>>
      tpu.wait_indirect_dma semaphore(%arg19 : memref<!tpu.dma_semaphore, #tpu.memory_space<semaphore_mem>>) src(%dma_wait3A_94 : memref<10000x128xf32, #tpu.memory_space<hbm>>) dst(%arg12 : memref<120x128xf32, #tpu.memory_space<vmem>>)
      "tpu.region"() ({
        %run_scoped3A = tpu.sem_alloc : memref<!tpu.dma_semaphore, #tpu.memory_space<semaphore_mem>>
        %dma_start3A_256 = arith.constant 0 : i32
        %dma_start3A_257 = arith.constant 0 : i32
        %dma_start3A_258 = tpu.memref_slice %arg15[%dma_start3A_256, %dma_start3A_257] : memref<10112x128xf32, #tpu.memory_space<vmem_shared>> -> memref<10112x128xf32, #tpu.memory_space<vmem_shared>>
        tpu.enqueue_indirect_dma source(%arg12 : memref<120x128xf32, #tpu.memory_space<vmem>>) target(%dma_start3A_258 : memref<10112x128xf32, #tpu.memory_space<vmem_shared>>) offsets(%arg9 : memref<120xi32, #tpu.memory_space<vmem>>) semaphore(%run_scoped3A : memref<!tpu.dma_semaphore, #tpu.memory_space<semaphore_mem>>) {add = true}
        %dma_wait3A_259 = arith.constant 0 : i32
        %dma_wait3A_260 = arith.constant 0 : i32
        %dma_wait3A_261 = tpu.memref_slice %arg15[%dma_wait3A_259, %dma_wait3A_260] : memref<10112x128xf32, #tpu.memory_space<vmem_shared>> -> memref<10112x128xf32, #tpu.memory_space<vmem_shared>>
        tpu.wait_indirect_dma semaphore(%run_scoped3A : memref<!tpu.dma_semaphore, #tpu.memory_space<semaphore_mem>>) src(%arg12 : memref<120x128xf32, #tpu.memory_space<vmem>>) dst(%dma_wait3A_261 : memref<10112x128xf32, #tpu.memory_space<vmem_shared>>)
        tpu.yield
      }) : () -> ()
      %add3A_95 = arith.constant 3 : i32
      %add3A_96 = arith.addi %add3A_80, %add3A_95 : i32
      %min3A = arith.constant 83 : i32
      %min3A_97 = arith.minsi %add3A_96, %min3A : i32
      %mul3A_98 = arith.constant 120 : i32
      %mul3A_99 = arith.muli %min3A_97, %mul3A_98 : i32
      %add3A_100 = arith.addi %mul3A_2, %mul3A_99 : i32
      %multiple_of3A_101 = tpu.assume_multiple %add3A_100, 8 : i32
      %dma_start3A_102 = tpu.memref_slice %arg3[%multiple_of3A_101] : memref<322560xi32, #tpu.memory_space<hbm>> -> memref<120xi32, #tpu.memory_space<hbm>>
      %dma_start3A_103 = tpu.memref_slice %arg3[%multiple_of3A_101] : memref<322560xi32, #tpu.memory_space<hbm>> -> memref<120xi32, #tpu.memory_space<hbm>>
      tpu.enqueue_dma source(%dma_start3A_103 : memref<120xi32, #tpu.memory_space<hbm>>) target(%arg6 : memref<120xi32, #tpu.memory_space<vmem>>) target_semaphore(%arg16 : memref<!tpu.dma_semaphore, #tpu.memory_space<semaphore_mem>>)
      %dma_start3A_104 = tpu.memref_slice %arg4[%multiple_of3A_101] : memref<322560xi32, #tpu.memory_space<hbm>> -> memref<120xi32, #tpu.memory_space<hbm>>
      %dma_start3A_105 = tpu.memref_slice %arg4[%multiple_of3A_101] : memref<322560xi32, #tpu.memory_space<hbm>> -> memref<120xi32, #tpu.memory_space<hbm>>
      tpu.enqueue_dma source(%dma_start3A_105 : memref<120xi32, #tpu.memory_space<hbm>>) target(%arg9 : memref<120xi32, #tpu.memory_space<vmem>>) target_semaphore(%arg16 : memref<!tpu.dma_semaphore, #tpu.memory_space<semaphore_mem>>)
      %mul3A_106 = arith.constant 6 : i32
      %mul3A_107 = arith.muli %mul3A_106, %scan3A_76 : i32
      %add3A_108 = arith.constant 1 : i32
      %add3A_109 = arith.addi %mul3A_107, %add3A_108 : i32
      %dma_wait3A_110 = arith.constant 0 : i32
      %dma_wait3A_111 = tpu.memref_slice %arg3[%dma_wait3A_110] : memref<322560xi32, #tpu.memory_space<hbm>> -> memref<120xi32, #tpu.memory_space<hbm>>
      %dma_wait3A_112 = arith.constant 0 : i32
      %dma_wait3A_113 = tpu.memref_slice %arg3[%dma_wait3A_112] : memref<322560xi32, #tpu.memory_space<hbm>> -> memref<120xi32, #tpu.memory_space<hbm>>
      tpu.wait_dma2 semaphore(%arg18 : memref<!tpu.dma_semaphore, #tpu.memory_space<semaphore_mem>>) src(%dma_wait3A_113 : memref<120xi32, #tpu.memory_space<hbm>>) dst(%arg8 : memref<120xi32, #tpu.memory_space<vmem>>)
      %dma_wait3A_114 = arith.constant 0 : i32
      %dma_wait3A_115 = tpu.memref_slice %arg4[%dma_wait3A_114] : memref<322560xi32, #tpu.memory_space<hbm>> -> memref<120xi32, #tpu.memory_space<hbm>>
      %dma_wait3A_116 = arith.constant 0 : i32
      %dma_wait3A_117 = tpu.memref_slice %arg4[%dma_wait3A_116] : memref<322560xi32, #tpu.memory_space<hbm>> -> memref<120xi32, #tpu.memory_space<hbm>>
      tpu.wait_dma2 semaphore(%arg18 : memref<!tpu.dma_semaphore, #tpu.memory_space<semaphore_mem>>) src(%dma_wait3A_117 : memref<120xi32, #tpu.memory_space<hbm>>) dst(%arg11 : memref<120xi32, #tpu.memory_space<vmem>>)
      %dma_start3A_118 = arith.constant 0 : i32
      %dma_start3A_119 = arith.constant 0 : i32
      %dma_start3A_120 = tpu.memref_slice %arg2[%dma_start3A_118, %dma_start3A_119] : memref<10000x128xf32, #tpu.memory_space<hbm>> -> memref<10000x128xf32, #tpu.memory_space<hbm>>
      tpu.enqueue_indirect_dma source(%dma_start3A_120 : memref<10000x128xf32, #tpu.memory_space<hbm>>) target(%arg14 : memref<120x128xf32, #tpu.memory_space<vmem>>) offsets(%arg8 : memref<120xi32, #tpu.memory_space<vmem>>) semaphore(%arg21 : memref<!tpu.dma_semaphore, #tpu.memory_space<semaphore_mem>>)
      %dma_wait3A_121 = arith.constant 0 : i32
      %dma_wait3A_122 = arith.constant 0 : i32
      %dma_wait3A_123 = tpu.memref_slice %arg2[%dma_wait3A_121, %dma_wait3A_122] : memref<10000x128xf32, #tpu.memory_space<hbm>> -> memref<10000x128xf32, #tpu.memory_space<hbm>>
      tpu.wait_indirect_dma semaphore(%arg20 : memref<!tpu.dma_semaphore, #tpu.memory_space<semaphore_mem>>) src(%dma_wait3A_123 : memref<10000x128xf32, #tpu.memory_space<hbm>>) dst(%arg13 : memref<120x128xf32, #tpu.memory_space<vmem>>)
      "tpu.region"() ({
        %run_scoped3A = tpu.sem_alloc : memref<!tpu.dma_semaphore, #tpu.memory_space<semaphore_mem>>
        %dma_start3A_256 = arith.constant 0 : i32
        %dma_start3A_257 = arith.constant 0 : i32
        %dma_start3A_258 = tpu.memref_slice %arg15[%dma_start3A_256, %dma_start3A_257] : memref<10112x128xf32, #tpu.memory_space<vmem_shared>> -> memref<10112x128xf32, #tpu.memory_space<vmem_shared>>
        tpu.enqueue_indirect_dma source(%arg13 : memref<120x128xf32, #tpu.memory_space<vmem>>) target(%dma_start3A_258 : memref<10112x128xf32, #tpu.memory_space<vmem_shared>>) offsets(%arg10 : memref<120xi32, #tpu.memory_space<vmem>>) semaphore(%run_scoped3A : memref<!tpu.dma_semaphore, #tpu.memory_space<semaphore_mem>>) {add = true}
        %dma_wait3A_259 = arith.constant 0 : i32
        %dma_wait3A_260 = arith.constant 0 : i32
        %dma_wait3A_261 = tpu.memref_slice %arg15[%dma_wait3A_259, %dma_wait3A_260] : memref<10112x128xf32, #tpu.memory_space<vmem_shared>> -> memref<10112x128xf32, #tpu.memory_space<vmem_shared>>
        tpu.wait_indirect_dma semaphore(%run_scoped3A : memref<!tpu.dma_semaphore, #tpu.memory_space<semaphore_mem>>) src(%arg13 : memref<120x128xf32, #tpu.memory_space<vmem>>) dst(%dma_wait3A_261 : memref<10112x128xf32, #tpu.memory_space<vmem_shared>>)
        tpu.yield
      }) : () -> ()
      %add3A_124 = arith.constant 3 : i32
      %add3A_125 = arith.addi %add3A_109, %add3A_124 : i32
      %min3A_126 = arith.constant 83 : i32
      %min3A_127 = arith.minsi %add3A_125, %min3A_126 : i32
      %mul3A_128 = arith.constant 120 : i32
      %mul3A_129 = arith.muli %min3A_127, %mul3A_128 : i32
      %add3A_130 = arith.addi %mul3A_2, %mul3A_129 : i32
      %multiple_of3A_131 = tpu.assume_multiple %add3A_130, 8 : i32
      %dma_start3A_132 = tpu.memref_slice %arg3[%multiple_of3A_131] : memref<322560xi32, #tpu.memory_space<hbm>> -> memref<120xi32, #tpu.memory_space<hbm>>
      %dma_start3A_133 = tpu.memref_slice %arg3[%multiple_of3A_131] : memref<322560xi32, #tpu.memory_space<hbm>> -> memref<120xi32, #tpu.memory_space<hbm>>
      tpu.enqueue_dma source(%dma_start3A_133 : memref<120xi32, #tpu.memory_space<hbm>>) target(%arg7 : memref<120xi32, #tpu.memory_space<vmem>>) target_semaphore(%arg17 : memref<!tpu.dma_semaphore, #tpu.memory_space<semaphore_mem>>)
      %dma_start3A_134 = tpu.memref_slice %arg4[%multiple_of3A_131] : memref<322560xi32, #tpu.memory_space<hbm>> -> memref<120xi32, #tpu.memory_space<hbm>>
      %dma_start3A_135 = tpu.memref_slice %arg4[%multiple_of3A_131] : memref<322560xi32, #tpu.memory_space<hbm>> -> memref<120xi32, #tpu.memory_space<hbm>>
      tpu.enqueue_dma source(%dma_start3A_135 : memref<120xi32, #tpu.memory_space<hbm>>) target(%arg10 : memref<120xi32, #tpu.memory_space<vmem>>) target_semaphore(%arg17 : memref<!tpu.dma_semaphore, #tpu.memory_space<semaphore_mem>>)
      %mul3A_136 = arith.constant 6 : i32
      %mul3A_137 = arith.muli %mul3A_136, %scan3A_76 : i32
      %add3A_138 = arith.constant 2 : i32
      %add3A_139 = arith.addi %mul3A_137, %add3A_138 : i32
      %dma_wait3A_140 = arith.constant 0 : i32
      %dma_wait3A_141 = tpu.memref_slice %arg3[%dma_wait3A_140] : memref<322560xi32, #tpu.memory_space<hbm>> -> memref<120xi32, #tpu.memory_space<hbm>>
      %dma_wait3A_142 = arith.constant 0 : i32
      %dma_wait3A_143 = tpu.memref_slice %arg3[%dma_wait3A_142] : memref<322560xi32, #tpu.memory_space<hbm>> -> memref<120xi32, #tpu.memory_space<hbm>>
      tpu.wait_dma2 semaphore(%arg16 : memref<!tpu.dma_semaphore, #tpu.memory_space<semaphore_mem>>) src(%dma_wait3A_143 : memref<120xi32, #tpu.memory_space<hbm>>) dst(%arg6 : memref<120xi32, #tpu.memory_space<vmem>>)
      %dma_wait3A_144 = arith.constant 0 : i32
      %dma_wait3A_145 = tpu.memref_slice %arg4[%dma_wait3A_144] : memref<322560xi32, #tpu.memory_space<hbm>> -> memref<120xi32, #tpu.memory_space<hbm>>
      %dma_wait3A_146 = arith.constant 0 : i32
      %dma_wait3A_147 = tpu.memref_slice %arg4[%dma_wait3A_146] : memref<322560xi32, #tpu.memory_space<hbm>> -> memref<120xi32, #tpu.memory_space<hbm>>
      tpu.wait_dma2 semaphore(%arg16 : memref<!tpu.dma_semaphore, #tpu.memory_space<semaphore_mem>>) src(%dma_wait3A_147 : memref<120xi32, #tpu.memory_space<hbm>>) dst(%arg9 : memref<120xi32, #tpu.memory_space<vmem>>)
      %dma_start3A_148 = arith.constant 0 : i32
      %dma_start3A_149 = arith.constant 0 : i32
      %dma_start3A_150 = tpu.memref_slice %arg2[%dma_start3A_148, %dma_start3A_149] : memref<10000x128xf32, #tpu.memory_space<hbm>> -> memref<10000x128xf32, #tpu.memory_space<hbm>>
      tpu.enqueue_indirect_dma source(%dma_start3A_150 : memref<10000x128xf32, #tpu.memory_space<hbm>>) target(%arg12 : memref<120x128xf32, #tpu.memory_space<vmem>>) offsets(%arg6 : memref<120xi32, #tpu.memory_space<vmem>>) semaphore(%arg19 : memref<!tpu.dma_semaphore, #tpu.memory_space<semaphore_mem>>)
      %dma_wait3A_151 = arith.constant 0 : i32
      %dma_wait3A_152 = arith.constant 0 : i32
      %dma_wait3A_153 = tpu.memref_slice %arg2[%dma_wait3A_151, %dma_wait3A_152] : memref<10000x128xf32, #tpu.memory_space<hbm>> -> memref<10000x128xf32, #tpu.memory_space<hbm>>
      tpu.wait_indirect_dma semaphore(%arg21 : memref<!tpu.dma_semaphore, #tpu.memory_space<semaphore_mem>>) src(%dma_wait3A_153 : memref<10000x128xf32, #tpu.memory_space<hbm>>) dst(%arg14 : memref<120x128xf32, #tpu.memory_space<vmem>>)
      "tpu.region"() ({
        %run_scoped3A = tpu.sem_alloc : memref<!tpu.dma_semaphore, #tpu.memory_space<semaphore_mem>>
        %dma_start3A_256 = arith.constant 0 : i32
        %dma_start3A_257 = arith.constant 0 : i32
        %dma_start3A_258 = tpu.memref_slice %arg15[%dma_start3A_256, %dma_start3A_257] : memref<10112x128xf32, #tpu.memory_space<vmem_shared>> -> memref<10112x128xf32, #tpu.memory_space<vmem_shared>>
        tpu.enqueue_indirect_dma source(%arg14 : memref<120x128xf32, #tpu.memory_space<vmem>>) target(%dma_start3A_258 : memref<10112x128xf32, #tpu.memory_space<vmem_shared>>) offsets(%arg11 : memref<120xi32, #tpu.memory_space<vmem>>) semaphore(%run_scoped3A : memref<!tpu.dma_semaphore, #tpu.memory_space<semaphore_mem>>) {add = true}
        %dma_wait3A_259 = arith.constant 0 : i32
        %dma_wait3A_260 = arith.constant 0 : i32
        %dma_wait3A_261 = tpu.memref_slice %arg15[%dma_wait3A_259, %dma_wait3A_260] : memref<10112x128xf32, #tpu.memory_space<vmem_shared>> -> memref<10112x128xf32, #tpu.memory_space<vmem_shared>>
        tpu.wait_indirect_dma semaphore(%run_scoped3A : memref<!tpu.dma_semaphore, #tpu.memory_space<semaphore_mem>>) src(%arg14 : memref<120x128xf32, #tpu.memory_space<vmem>>) dst(%dma_wait3A_261 : memref<10112x128xf32, #tpu.memory_space<vmem_shared>>)
        tpu.yield
      }) : () -> ()
      %add3A_154 = arith.constant 3 : i32
      %add3A_155 = arith.addi %add3A_139, %add3A_154 : i32
      %min3A_156 = arith.constant 83 : i32
      %min3A_157 = arith.minsi %add3A_155, %min3A_156 : i32
      %mul3A_158 = arith.constant 120 : i32
      %mul3A_159 = arith.muli %min3A_157, %mul3A_158 : i32
      %add3A_160 = arith.addi %mul3A_2, %mul3A_159 : i32
      %multiple_of3A_161 = tpu.assume_multiple %add3A_160, 8 : i32
      %dma_start3A_162 = tpu.memref_slice %arg3[%multiple_of3A_161] : memref<322560xi32, #tpu.memory_space<hbm>> -> memref<120xi32, #tpu.memory_space<hbm>>
      %dma_start3A_163 = tpu.memref_slice %arg3[%multiple_of3A_161] : memref<322560xi32, #tpu.memory_space<hbm>> -> memref<120xi32, #tpu.memory_space<hbm>>
      tpu.enqueue_dma source(%dma_start3A_163 : memref<120xi32, #tpu.memory_space<hbm>>) target(%arg8 : memref<120xi32, #tpu.memory_space<vmem>>) target_semaphore(%arg18 : memref<!tpu.dma_semaphore, #tpu.memory_space<semaphore_mem>>)
      %dma_start3A_164 = tpu.memref_slice %arg4[%multiple_of3A_161] : memref<322560xi32, #tpu.memory_space<hbm>> -> memref<120xi32, #tpu.memory_space<hbm>>
      %dma_start3A_165 = tpu.memref_slice %arg4[%multiple_of3A_161] : memref<322560xi32, #tpu.memory_space<hbm>> -> memref<120xi32, #tpu.memory_space<hbm>>
      tpu.enqueue_dma source(%dma_start3A_165 : memref<120xi32, #tpu.memory_space<hbm>>) target(%arg11 : memref<120xi32, #tpu.memory_space<vmem>>) target_semaphore(%arg18 : memref<!tpu.dma_semaphore, #tpu.memory_space<semaphore_mem>>)
      %mul3A_166 = arith.constant 6 : i32
      %mul3A_167 = arith.muli %mul3A_166, %scan3A_76 : i32
      %add3A_168 = arith.constant 3 : i32
      %add3A_169 = arith.addi %mul3A_167, %add3A_168 : i32
      %dma_wait3A_170 = arith.constant 0 : i32
      %dma_wait3A_171 = tpu.memref_slice %arg3[%dma_wait3A_170] : memref<322560xi32, #tpu.memory_space<hbm>> -> memref<120xi32, #tpu.memory_space<hbm>>
      %dma_wait3A_172 = arith.constant 0 : i32
      %dma_wait3A_173 = tpu.memref_slice %arg3[%dma_wait3A_172] : memref<322560xi32, #tpu.memory_space<hbm>> -> memref<120xi32, #tpu.memory_space<hbm>>
      tpu.wait_dma2 semaphore(%arg17 : memref<!tpu.dma_semaphore, #tpu.memory_space<semaphore_mem>>) src(%dma_wait3A_173 : memref<120xi32, #tpu.memory_space<hbm>>) dst(%arg7 : memref<120xi32, #tpu.memory_space<vmem>>)
      %dma_wait3A_174 = arith.constant 0 : i32
      %dma_wait3A_175 = tpu.memref_slice %arg4[%dma_wait3A_174] : memref<322560xi32, #tpu.memory_space<hbm>> -> memref<120xi32, #tpu.memory_space<hbm>>
      %dma_wait3A_176 = arith.constant 0 : i32
      %dma_wait3A_177 = tpu.memref_slice %arg4[%dma_wait3A_176] : memref<322560xi32, #tpu.memory_space<hbm>> -> memref<120xi32, #tpu.memory_space<hbm>>
      tpu.wait_dma2 semaphore(%arg17 : memref<!tpu.dma_semaphore, #tpu.memory_space<semaphore_mem>>) src(%dma_wait3A_177 : memref<120xi32, #tpu.memory_space<hbm>>) dst(%arg10 : memref<120xi32, #tpu.memory_space<vmem>>)
      %dma_start3A_178 = arith.constant 0 : i32
      %dma_start3A_179 = arith.constant 0 : i32
      %dma_start3A_180 = tpu.memref_slice %arg2[%dma_start3A_178, %dma_start3A_179] : memref<10000x128xf32, #tpu.memory_space<hbm>> -> memref<10000x128xf32, #tpu.memory_space<hbm>>
      tpu.enqueue_indirect_dma source(%dma_start3A_180 : memref<10000x128xf32, #tpu.memory_space<hbm>>) target(%arg13 : memref<120x128xf32, #tpu.memory_space<vmem>>) offsets(%arg7 : memref<120xi32, #tpu.memory_space<vmem>>) semaphore(%arg20 : memref<!tpu.dma_semaphore, #tpu.memory_space<semaphore_mem>>)
      %dma_wait3A_181 = arith.constant 0 : i32
      %dma_wait3A_182 = arith.constant 0 : i32
      %dma_wait3A_183 = tpu.memref_slice %arg2[%dma_wait3A_181, %dma_wait3A_182] : memref<10000x128xf32, #tpu.memory_space<hbm>> -> memref<10000x128xf32, #tpu.memory_space<hbm>>
      tpu.wait_indirect_dma semaphore(%arg19 : memref<!tpu.dma_semaphore, #tpu.memory_space<semaphore_mem>>) src(%dma_wait3A_183 : memref<10000x128xf32, #tpu.memory_space<hbm>>) dst(%arg12 : memref<120x128xf32, #tpu.memory_space<vmem>>)
      "tpu.region"() ({
        %run_scoped3A = tpu.sem_alloc : memref<!tpu.dma_semaphore, #tpu.memory_space<semaphore_mem>>
        %dma_start3A_256 = arith.constant 0 : i32
        %dma_start3A_257 = arith.constant 0 : i32
        %dma_start3A_258 = tpu.memref_slice %arg15[%dma_start3A_256, %dma_start3A_257] : memref<10112x128xf32, #tpu.memory_space<vmem_shared>> -> memref<10112x128xf32, #tpu.memory_space<vmem_shared>>
        tpu.enqueue_indirect_dma source(%arg12 : memref<120x128xf32, #tpu.memory_space<vmem>>) target(%dma_start3A_258 : memref<10112x128xf32, #tpu.memory_space<vmem_shared>>) offsets(%arg9 : memref<120xi32, #tpu.memory_space<vmem>>) semaphore(%run_scoped3A : memref<!tpu.dma_semaphore, #tpu.memory_space<semaphore_mem>>) {add = true}
        %dma_wait3A_259 = arith.constant 0 : i32
        %dma_wait3A_260 = arith.constant 0 : i32
        %dma_wait3A_261 = tpu.memref_slice %arg15[%dma_wait3A_259, %dma_wait3A_260] : memref<10112x128xf32, #tpu.memory_space<vmem_shared>> -> memref<10112x128xf32, #tpu.memory_space<vmem_shared>>
        tpu.wait_indirect_dma semaphore(%run_scoped3A : memref<!tpu.dma_semaphore, #tpu.memory_space<semaphore_mem>>) src(%arg12 : memref<120x128xf32, #tpu.memory_space<vmem>>) dst(%dma_wait3A_261 : memref<10112x128xf32, #tpu.memory_space<vmem_shared>>)
        tpu.yield
      }) : () -> ()
      %add3A_184 = arith.constant 3 : i32
      %add3A_185 = arith.addi %add3A_169, %add3A_184 : i32
      %min3A_186 = arith.constant 83 : i32
      %min3A_187 = arith.minsi %add3A_185, %min3A_186 : i32
      %mul3A_188 = arith.constant 120 : i32
      %mul3A_189 = arith.muli %min3A_187, %mul3A_188 : i32
      %add3A_190 = arith.addi %mul3A_2, %mul3A_189 : i32
      %multiple_of3A_191 = tpu.assume_multiple %add3A_190, 8 : i32
      %dma_start3A_192 = tpu.memref_slice %arg3[%multiple_of3A_191] : memref<322560xi32, #tpu.memory_space<hbm>> -> memref<120xi32, #tpu.memory_space<hbm>>
      %dma_start3A_193 = tpu.memref_slice %arg3[%multiple_of3A_191] : memref<322560xi32, #tpu.memory_space<hbm>> -> memref<120xi32, #tpu.memory_space<hbm>>
      tpu.enqueue_dma source(%dma_start3A_193 : memref<120xi32, #tpu.memory_space<hbm>>) target(%arg6 : memref<120xi32, #tpu.memory_space<vmem>>) target_semaphore(%arg16 : memref<!tpu.dma_semaphore, #tpu.memory_space<semaphore_mem>>)
      %dma_start3A_194 = tpu.memref_slice %arg4[%multiple_of3A_191] : memref<322560xi32, #tpu.memory_space<hbm>> -> memref<120xi32, #tpu.memory_space<hbm>>
      %dma_start3A_195 = tpu.memref_slice %arg4[%multiple_of3A_191] : memref<322560xi32, #tpu.memory_space<hbm>> -> memref<120xi32, #tpu.memory_space<hbm>>
      tpu.enqueue_dma source(%dma_start3A_195 : memref<120xi32, #tpu.memory_space<hbm>>) target(%arg9 : memref<120xi32, #tpu.memory_space<vmem>>) target_semaphore(%arg16 : memref<!tpu.dma_semaphore, #tpu.memory_space<semaphore_mem>>)
      %mul3A_196 = arith.constant 6 : i32
      %mul3A_197 = arith.muli %mul3A_196, %scan3A_76 : i32
      %add3A_198 = arith.constant 4 : i32
      %add3A_199 = arith.addi %mul3A_197, %add3A_198 : i32
      %dma_wait3A_200 = arith.constant 0 : i32
      %dma_wait3A_201 = tpu.memref_slice %arg3[%dma_wait3A_200] : memref<322560xi32, #tpu.memory_space<hbm>> -> memref<120xi32, #tpu.memory_space<hbm>>
      %dma_wait3A_202 = arith.constant 0 : i32
      %dma_wait3A_203 = tpu.memref_slice %arg3[%dma_wait3A_202] : memref<322560xi32, #tpu.memory_space<hbm>> -> memref<120xi32, #tpu.memory_space<hbm>>
      tpu.wait_dma2 semaphore(%arg18 : memref<!tpu.dma_semaphore, #tpu.memory_space<semaphore_mem>>) src(%dma_wait3A_203 : memref<120xi32, #tpu.memory_space<hbm>>) dst(%arg8 : memref<120xi32, #tpu.memory_space<vmem>>)
      %dma_wait3A_204 = arith.constant 0 : i32
      %dma_wait3A_205 = tpu.memref_slice %arg4[%dma_wait3A_204] : memref<322560xi32, #tpu.memory_space<hbm>> -> memref<120xi32, #tpu.memory_space<hbm>>
      %dma_wait3A_206 = arith.constant 0 : i32
      %dma_wait3A_207 = tpu.memref_slice %arg4[%dma_wait3A_206] : memref<322560xi32, #tpu.memory_space<hbm>> -> memref<120xi32, #tpu.memory_space<hbm>>
      tpu.wait_dma2 semaphore(%arg18 : memref<!tpu.dma_semaphore, #tpu.memory_space<semaphore_mem>>) src(%dma_wait3A_207 : memref<120xi32, #tpu.memory_space<hbm>>) dst(%arg11 : memref<120xi32, #tpu.memory_space<vmem>>)
      %dma_start3A_208 = arith.constant 0 : i32
      %dma_start3A_209 = arith.constant 0 : i32
      %dma_start3A_210 = tpu.memref_slice %arg2[%dma_start3A_208, %dma_start3A_209] : memref<10000x128xf32, #tpu.memory_space<hbm>> -> memref<10000x128xf32, #tpu.memory_space<hbm>>
      tpu.enqueue_indirect_dma source(%dma_start3A_210 : memref<10000x128xf32, #tpu.memory_space<hbm>>) target(%arg14 : memref<120x128xf32, #tpu.memory_space<vmem>>) offsets(%arg8 : memref<120xi32, #tpu.memory_space<vmem>>) semaphore(%arg21 : memref<!tpu.dma_semaphore, #tpu.memory_space<semaphore_mem>>)
      %dma_wait3A_211 = arith.constant 0 : i32
      %dma_wait3A_212 = arith.constant 0 : i32
      %dma_wait3A_213 = tpu.memref_slice %arg2[%dma_wait3A_211, %dma_wait3A_212] : memref<10000x128xf32, #tpu.memory_space<hbm>> -> memref<10000x128xf32, #tpu.memory_space<hbm>>
      tpu.wait_indirect_dma semaphore(%arg20 : memref<!tpu.dma_semaphore, #tpu.memory_space<semaphore_mem>>) src(%dma_wait3A_213 : memref<10000x128xf32, #tpu.memory_space<hbm>>) dst(%arg13 : memref<120x128xf32, #tpu.memory_space<vmem>>)
      "tpu.region"() ({
        %run_scoped3A = tpu.sem_alloc : memref<!tpu.dma_semaphore, #tpu.memory_space<semaphore_mem>>
        %dma_start3A_256 = arith.constant 0 : i32
        %dma_start3A_257 = arith.constant 0 : i32
        %dma_start3A_258 = tpu.memref_slice %arg15[%dma_start3A_256, %dma_start3A_257] : memref<10112x128xf32, #tpu.memory_space<vmem_shared>> -> memref<10112x128xf32, #tpu.memory_space<vmem_shared>>
        tpu.enqueue_indirect_dma source(%arg13 : memref<120x128xf32, #tpu.memory_space<vmem>>) target(%dma_start3A_258 : memref<10112x128xf32, #tpu.memory_space<vmem_shared>>) offsets(%arg10 : memref<120xi32, #tpu.memory_space<vmem>>) semaphore(%run_scoped3A : memref<!tpu.dma_semaphore, #tpu.memory_space<semaphore_mem>>) {add = true}
        %dma_wait3A_259 = arith.constant 0 : i32
        %dma_wait3A_260 = arith.constant 0 : i32
        %dma_wait3A_261 = tpu.memref_slice %arg15[%dma_wait3A_259, %dma_wait3A_260] : memref<10112x128xf32, #tpu.memory_space<vmem_shared>> -> memref<10112x128xf32, #tpu.memory_space<vmem_shared>>
        tpu.wait_indirect_dma semaphore(%run_scoped3A : memref<!tpu.dma_semaphore, #tpu.memory_space<semaphore_mem>>) src(%arg13 : memref<120x128xf32, #tpu.memory_space<vmem>>) dst(%dma_wait3A_261 : memref<10112x128xf32, #tpu.memory_space<vmem_shared>>)
        tpu.yield
      }) : () -> ()
      %add3A_214 = arith.constant 3 : i32
      %add3A_215 = arith.addi %add3A_199, %add3A_214 : i32
      %min3A_216 = arith.constant 83 : i32
      %min3A_217 = arith.minsi %add3A_215, %min3A_216 : i32
      %mul3A_218 = arith.constant 120 : i32
      %mul3A_219 = arith.muli %min3A_217, %mul3A_218 : i32
      %add3A_220 = arith.addi %mul3A_2, %mul3A_219 : i32
      %multiple_of3A_221 = tpu.assume_multiple %add3A_220, 8 : i32
      %dma_start3A_222 = tpu.memref_slice %arg3[%multiple_of3A_221] : memref<322560xi32, #tpu.memory_space<hbm>> -> memref<120xi32, #tpu.memory_space<hbm>>
      %dma_start3A_223 = tpu.memref_slice %arg3[%multiple_of3A_221] : memref<322560xi32, #tpu.memory_space<hbm>> -> memref<120xi32, #tpu.memory_space<hbm>>
      tpu.enqueue_dma source(%dma_start3A_223 : memref<120xi32, #tpu.memory_space<hbm>>) target(%arg7 : memref<120xi32, #tpu.memory_space<vmem>>) target_semaphore(%arg17 : memref<!tpu.dma_semaphore, #tpu.memory_space<semaphore_mem>>)
      %dma_start3A_224 = tpu.memref_slice %arg4[%multiple_of3A_221] : memref<322560xi32, #tpu.memory_space<hbm>> -> memref<120xi32, #tpu.memory_space<hbm>>
      %dma_start3A_225 = tpu.memref_slice %arg4[%multiple_of3A_221] : memref<322560xi32, #tpu.memory_space<hbm>> -> memref<120xi32, #tpu.memory_space<hbm>>
      tpu.enqueue_dma source(%dma_start3A_225 : memref<120xi32, #tpu.memory_space<hbm>>) target(%arg10 : memref<120xi32, #tpu.memory_space<vmem>>) target_semaphore(%arg17 : memref<!tpu.dma_semaphore, #tpu.memory_space<semaphore_mem>>)
      %mul3A_226 = arith.constant 6 : i32
      %mul3A_227 = arith.muli %mul3A_226, %scan3A_76 : i32
      %add3A_228 = arith.constant 5 : i32
      %add3A_229 = arith.addi %mul3A_227, %add3A_228 : i32
      %dma_wait3A_230 = arith.constant 0 : i32
      %dma_wait3A_231 = tpu.memref_slice %arg3[%dma_wait3A_230] : memref<322560xi32, #tpu.memory_space<hbm>> -> memref<120xi32, #tpu.memory_space<hbm>>
      %dma_wait3A_232 = arith.constant 0 : i32
      %dma_wait3A_233 = tpu.memref_slice %arg3[%dma_wait3A_232] : memref<322560xi32, #tpu.memory_space<hbm>> -> memref<120xi32, #tpu.memory_space<hbm>>
      tpu.wait_dma2 semaphore(%arg16 : memref<!tpu.dma_semaphore, #tpu.memory_space<semaphore_mem>>) src(%dma_wait3A_233 : memref<120xi32, #tpu.memory_space<hbm>>) dst(%arg6 : memref<120xi32, #tpu.memory_space<vmem>>)
      %dma_wait3A_234 = arith.constant 0 : i32
      %dma_wait3A_235 = tpu.memref_slice %arg4[%dma_wait3A_234] : memref<322560xi32, #tpu.memory_space<hbm>> -> memref<120xi32, #tpu.memory_space<hbm>>
      %dma_wait3A_236 = arith.constant 0 : i32
      %dma_wait3A_237 = tpu.memref_slice %arg4[%dma_wait3A_236] : memref<322560xi32, #tpu.memory_space<hbm>> -> memref<120xi32, #tpu.memory_space<hbm>>
      tpu.wait_dma2 semaphore(%arg16 : memref<!tpu.dma_semaphore, #tpu.memory_space<semaphore_mem>>) src(%dma_wait3A_237 : memref<120xi32, #tpu.memory_space<hbm>>) dst(%arg9 : memref<120xi32, #tpu.memory_space<vmem>>)
      %dma_start3A_238 = arith.constant 0 : i32
      %dma_start3A_239 = arith.constant 0 : i32
      %dma_start3A_240 = tpu.memref_slice %arg2[%dma_start3A_238, %dma_start3A_239] : memref<10000x128xf32, #tpu.memory_space<hbm>> -> memref<10000x128xf32, #tpu.memory_space<hbm>>
      tpu.enqueue_indirect_dma source(%dma_start3A_240 : memref<10000x128xf32, #tpu.memory_space<hbm>>) target(%arg12 : memref<120x128xf32, #tpu.memory_space<vmem>>) offsets(%arg6 : memref<120xi32, #tpu.memory_space<vmem>>) semaphore(%arg19 : memref<!tpu.dma_semaphore, #tpu.memory_space<semaphore_mem>>)
      %dma_wait3A_241 = arith.constant 0 : i32
      %dma_wait3A_242 = arith.constant 0 : i32
      %dma_wait3A_243 = tpu.memref_slice %arg2[%dma_wait3A_241, %dma_wait3A_242] : memref<10000x128xf32, #tpu.memory_space<hbm>> -> memref<10000x128xf32, #tpu.memory_space<hbm>>
      tpu.wait_indirect_dma semaphore(%arg21 : memref<!tpu.dma_semaphore, #tpu.memory_space<semaphore_mem>>) src(%dma_wait3A_243 : memref<10000x128xf32, #tpu.memory_space<hbm>>) dst(%arg14 : memref<120x128xf32, #tpu.memory_space<vmem>>)
      "tpu.region"() ({
        %run_scoped3A = tpu.sem_alloc : memref<!tpu.dma_semaphore, #tpu.memory_space<semaphore_mem>>
        %dma_start3A_256 = arith.constant 0 : i32
        %dma_start3A_257 = arith.constant 0 : i32
        %dma_start3A_258 = tpu.memref_slice %arg15[%dma_start3A_256, %dma_start3A_257] : memref<10112x128xf32, #tpu.memory_space<vmem_shared>> -> memref<10112x128xf32, #tpu.memory_space<vmem_shared>>
        tpu.enqueue_indirect_dma source(%arg14 : memref<120x128xf32, #tpu.memory_space<vmem>>) target(%dma_start3A_258 : memref<10112x128xf32, #tpu.memory_space<vmem_shared>>) offsets(%arg11 : memref<120xi32, #tpu.memory_space<vmem>>) semaphore(%run_scoped3A : memref<!tpu.dma_semaphore, #tpu.memory_space<semaphore_mem>>) {add = true}
        %dma_wait3A_259 = arith.constant 0 : i32
        %dma_wait3A_260 = arith.constant 0 : i32
        %dma_wait3A_261 = tpu.memref_slice %arg15[%dma_wait3A_259, %dma_wait3A_260] : memref<10112x128xf32, #tpu.memory_space<vmem_shared>> -> memref<10112x128xf32, #tpu.memory_space<vmem_shared>>
        tpu.wait_indirect_dma semaphore(%run_scoped3A : memref<!tpu.dma_semaphore, #tpu.memory_space<semaphore_mem>>) src(%arg14 : memref<120x128xf32, #tpu.memory_space<vmem>>) dst(%dma_wait3A_261 : memref<10112x128xf32, #tpu.memory_space<vmem_shared>>)
        tpu.yield
      }) : () -> ()
      %add3A_244 = arith.constant 3 : i32
      %add3A_245 = arith.addi %add3A_229, %add3A_244 : i32
      %min3A_246 = arith.constant 83 : i32
      %min3A_247 = arith.minsi %add3A_245, %min3A_246 : i32
      %mul3A_248 = arith.constant 120 : i32
      %mul3A_249 = arith.muli %min3A_247, %mul3A_248 : i32
      %add3A_250 = arith.addi %mul3A_2, %mul3A_249 : i32
      %multiple_of3A_251 = tpu.assume_multiple %add3A_250, 8 : i32
      %dma_start3A_252 = tpu.memref_slice %arg3[%multiple_of3A_251] : memref<322560xi32, #tpu.memory_space<hbm>> -> memref<120xi32, #tpu.memory_space<hbm>>
      %dma_start3A_253 = tpu.memref_slice %arg3[%multiple_of3A_251] : memref<322560xi32, #tpu.memory_space<hbm>> -> memref<120xi32, #tpu.memory_space<hbm>>
      tpu.enqueue_dma source(%dma_start3A_253 : memref<120xi32, #tpu.memory_space<hbm>>) target(%arg8 : memref<120xi32, #tpu.memory_space<vmem>>) target_semaphore(%arg18 : memref<!tpu.dma_semaphore, #tpu.memory_space<semaphore_mem>>)
      %dma_start3A_254 = tpu.memref_slice %arg4[%multiple_of3A_251] : memref<322560xi32, #tpu.memory_space<hbm>> -> memref<120xi32, #tpu.memory_space<hbm>>
      %dma_start3A_255 = tpu.memref_slice %arg4[%multiple_of3A_251] : memref<322560xi32, #tpu.memory_space<hbm>> -> memref<120xi32, #tpu.memory_space<hbm>>
      tpu.enqueue_dma source(%dma_start3A_255 : memref<120xi32, #tpu.memory_space<hbm>>) target(%arg11 : memref<120xi32, #tpu.memory_space<vmem>>) target_semaphore(%arg18 : memref<!tpu.dma_semaphore, #tpu.memory_space<semaphore_mem>>)
    }
    %scan3A_55 = arith.constant 14 : i32
    %dma_wait3A_56 = arith.constant 0 : i32
    %dma_wait3A_57 = arith.constant 0 : i32
    %dma_wait3A_58 = tpu.memref_slice %arg2[%dma_wait3A_56, %dma_wait3A_57] : memref<10000x128xf32, #tpu.memory_space<hbm>> -> memref<10000x128xf32, #tpu.memory_space<hbm>>
    tpu.wait_indirect_dma semaphore(%arg19 : memref<!tpu.dma_semaphore, #tpu.memory_space<semaphore_mem>>) src(%dma_wait3A_58 : memref<10000x128xf32, #tpu.memory_space<hbm>>) dst(%arg12 : memref<120x128xf32, #tpu.memory_space<vmem>>)
    %dma_wait3A_59 = arith.constant 0 : i32
    %dma_wait3A_60 = tpu.memref_slice %arg3[%dma_wait3A_59] : memref<322560xi32, #tpu.memory_space<hbm>> -> memref<120xi32, #tpu.memory_space<hbm>>
    %dma_wait3A_61 = arith.constant 0 : i32
    %dma_wait3A_62 = tpu.memref_slice %arg3[%dma_wait3A_61] : memref<322560xi32, #tpu.memory_space<hbm>> -> memref<120xi32, #tpu.memory_space<hbm>>
    tpu.wait_dma2 semaphore(%arg17 : memref<!tpu.dma_semaphore, #tpu.memory_space<semaphore_mem>>) src(%dma_wait3A_62 : memref<120xi32, #tpu.memory_space<hbm>>) dst(%arg7 : memref<120xi32, #tpu.memory_space<vmem>>)
    %dma_wait3A_63 = arith.constant 0 : i32
    %dma_wait3A_64 = tpu.memref_slice %arg4[%dma_wait3A_63] : memref<322560xi32, #tpu.memory_space<hbm>> -> memref<120xi32, #tpu.memory_space<hbm>>
    %dma_wait3A_65 = arith.constant 0 : i32
    %dma_wait3A_66 = tpu.memref_slice %arg4[%dma_wait3A_65] : memref<322560xi32, #tpu.memory_space<hbm>> -> memref<120xi32, #tpu.memory_space<hbm>>
    tpu.wait_dma2 semaphore(%arg17 : memref<!tpu.dma_semaphore, #tpu.memory_space<semaphore_mem>>) src(%dma_wait3A_66 : memref<120xi32, #tpu.memory_space<hbm>>) dst(%arg10 : memref<120xi32, #tpu.memory_space<vmem>>)
    %dma_wait3A_67 = arith.constant 0 : i32
    %dma_wait3A_68 = tpu.memref_slice %arg3[%dma_wait3A_67] : memref<322560xi32, #tpu.memory_space<hbm>> -> memref<120xi32, #tpu.memory_space<hbm>>
    %dma_wait3A_69 = arith.constant 0 : i32
    %dma_wait3A_70 = tpu.memref_slice %arg3[%dma_wait3A_69] : memref<322560xi32, #tpu.memory_space<hbm>> -> memref<120xi32, #tpu.memory_space<hbm>>
    tpu.wait_dma2 semaphore(%arg18 : memref<!tpu.dma_semaphore, #tpu.memory_space<semaphore_mem>>) src(%dma_wait3A_70 : memref<120xi32, #tpu.memory_space<hbm>>) dst(%arg8 : memref<120xi32, #tpu.memory_space<vmem>>)
    %dma_wait3A_71 = arith.constant 0 : i32
    %dma_wait3A_72 = tpu.memref_slice %arg4[%dma_wait3A_71] : memref<322560xi32, #tpu.memory_space<hbm>> -> memref<120xi32, #tpu.memory_space<hbm>>
    %dma_wait3A_73 = arith.constant 0 : i32
    %dma_wait3A_74 = tpu.memref_slice %arg4[%dma_wait3A_73] : memref<322560xi32, #tpu.memory_space<hbm>> -> memref<120xi32, #tpu.memory_space<hbm>>
    tpu.wait_dma2 semaphore(%arg18 : memref<!tpu.dma_semaphore, #tpu.memory_space<semaphore_mem>>) src(%dma_wait3A_74 : memref<120xi32, #tpu.memory_space<hbm>>) dst(%arg11 : memref<120xi32, #tpu.memory_space<vmem>>)
    %barrier3A_75 = arith.constant 0 : index
    tpu.barrier barrier_id(%barrier3A_75)
    "tpu.region"() ({
      %run_scoped3A = tpu.sem_alloc : memref<!tpu.dma_semaphore, #tpu.memory_space<semaphore_mem>>
      %dma_start3A_76 = arith.constant 0 : i32
      %dma_start3A_77 = tpu.memref_slice %arg5[%arg0, %mul3A_14, %dma_start3A_76] : memref<2x10112x128xf32, #tpu.memory_space<hbm>> -> memref<1x632x128xf32, #tpu.memory_space<hbm>>
      %dma_start3A_78 = tpu.memref_squeeze %dma_start3A_77 : memref<1x632x128xf32, #tpu.memory_space<hbm>> -> memref<632x128xf32, #tpu.memory_space<hbm>>
      %dma_start3A_79 = arith.constant 0 : i32
      %dma_start3A_80 = tpu.memref_slice %arg15[%mul3A_14, %dma_start3A_79] : memref<10112x128xf32, #tpu.memory_space<vmem_shared>> -> memref<632x128xf32, #tpu.memory_space<vmem_shared>>
      tpu.enqueue_dma source(%dma_start3A_80 : memref<632x128xf32, #tpu.memory_space<vmem_shared>>) target(%dma_start3A_78 : memref<632x128xf32, #tpu.memory_space<hbm>>) target_semaphore(%run_scoped3A : memref<!tpu.dma_semaphore, #tpu.memory_space<semaphore_mem>>)
      %dma_wait3A_81 = arith.constant 0 : i32
      %dma_wait3A_82 = tpu.memref_slice %arg5[%arg0, %mul3A_14, %dma_wait3A_81] : memref<2x10112x128xf32, #tpu.memory_space<hbm>> -> memref<1x632x128xf32, #tpu.memory_space<hbm>>
      %dma_wait3A_83 = tpu.memref_squeeze %dma_wait3A_82 : memref<1x632x128xf32, #tpu.memory_space<hbm>> -> memref<632x128xf32, #tpu.memory_space<hbm>>
      %dma_wait3A_84 = arith.constant 0 : i32
      %dma_wait3A_85 = tpu.memref_slice %arg15[%mul3A_14, %dma_wait3A_84] : memref<10112x128xf32, #tpu.memory_space<vmem_shared>> -> memref<632x128xf32, #tpu.memory_space<vmem_shared>>
      tpu.wait_dma2 semaphore(%run_scoped3A : memref<!tpu.dma_semaphore, #tpu.memory_space<semaphore_mem>>) src(%dma_wait3A_85 : memref<632x128xf32, #tpu.memory_space<vmem_shared>>) dst(%dma_wait3A_83 : memref<632x128xf32, #tpu.memory_space<hbm>>)
      tpu.yield
    }) : () -> ()
    return
  }
}

</mosaic_0001>

<sc_bundles>
// kernel: _sc_edge_agg.3.cloned.1.call-start
scs
__scs_entry_jumppad:
0x0: {  	(pc) =	sbr.rel $0x88, $3  }
0x1: {  	(tag) =	ssettag $0x0;
	lr =	simm.s32 $0x1  }
0x2: {  	[smem:$0x3F9E] =	sst lr;
	_ =	strace $0xD0000000  }
0x3: {  	_ = 	snop  }
0x4: {  	_ = 	snop  }
0x5: {  	_ = 	snop  }
0x6: {  	_ = 	snop  }
0x7: {  	_ = 	snop  }
__scs_overlays_trampoline_lowered:
0x8: {  	[smem:$0x3FAD] =	sst s0  }
0x9: {  	[smem:$0x3FAE] =	sst s1  }
0xa: {  	[smem:$0x3FAF] =	sst s2  }
0xb: {  	[smem:$0x3FB0] =	sst s3  }
0xc: {  	[smem:$0x3FB1] =	sst s4  }
0xd: {  	[smem:$0x3FB2] =	sst s5  }
0xe: {  	[smem:$0x3FB3] =	sst s6  }
0xf: {  	[smem:$0x3FB4] =	sst s7  }
0x10: {  	[smem:$0x3FB5] =	sst s8  }
0x11: {  	[smem:$0x3FB6] =	sst s9;
	s0 =	simm.s32 @!p0 $0x0  }
0x12: {  	s1 =	sld [smem:$0x3F9C];
	s0 =	simm.s32 @p0 $0x1  }
0x13: {  	[smem:$0x3FB7] =	sst s0;
	s0 =	simm.s32 @!p1 $0x0  }
0x14: {  	s2 =	sld [smem:$0x3F9B];
	s0 =	simm.s32 @p1 $0x1  }
0x15: {  	[smem:$0x3FB8] =	sst s0;
	s0 =	simm.s32 @!p2 $0x0  }
0x16: {  	s3 =	sld [smem:$0x3FDB];
	s0 =	simm.s32 @p2 $0x1  }
0x17: {  	s4 =	simm.s32 $0x1BF5;
	[smem:$0x3FBA] =	sst s0  }
0x18: {  	s0 =	sld [smem:$0x3F9D];
	_ =	swait.ge [sflag:s4], $0x0  }
0x19: {  	s7 =	sld [smem:$0x3F9E]  }
0x1a: {  	s8 =	sadd.s32 $0xFFFFE003, lr  }
0x1b: {  	s9 =	sadd.s32 $0xFFFFFEF7, lr;
	s5 =	simm.s32 $0xFFFFFFFF;
	p2 =	slt.u32 s8, $0xFFFFF086  }
0x1c: {  	p1 =	slt.u32 s9, $0xF7A;
	s5 =	simm.s32 @!p2 $0x0  }
0x1d: {  	s5 =	simm.s32 @p1 $0x1;
	p0 =	seq.s32 s7, s2  }
0x1e: {  	s7 =	smul.u32 @!p0 $0xF7A, s2;
	p2 =	seq.s32 @!p0 s5, $0x0  }
0x1f: {  	s9 =	smul.u32 $0xF7A, s1;
	s8 =	simm.s32 @!p0 $0x1BF5;
	p2 =	por !p2, p0  }
0x20: {  	[sflag:s8] =	ssyncset.s32 @!p0 $0xFFFFF086;
	s6 =	sadd.s32 @!p0 s3, s7;
	s7 =	simm.s32 @!p0 $0x108  }
0x21: {  	s3 =	sadd.s32 s3, s9;
	s6 =	sadd.s32 @!p0 $0x88, s6;
	s7 =	simm.s32 @p2 $0x1082  }
0x22: {  	[simem:s7], [sflag:s8] =	dma.local @!p0 [hbm:s6], $0xF7A  }
0x23: {  	s9 =	sor.u32 $0xD0000000, s2;
	s6 =	simm.s32 $0x108;
	_ =	swait.ge @!p0 [sflag:s8], $0x0  }
0x24: {  	s3 =	sadd.s32 $0x88, s3;
	s6 =	simm.s32 @!p1 $0x1082;
	[sflag:s4] =	ssyncset.s32 $0xFFFFF086  }
0x25: {  	[simem:s6], [sflag:s4] =	dma.local [hbm:s3], $0xF7A  }
0x26: {  	[smem:$0x3F9E] =	sst s1;
	(tag) =	ssettag s2;
	_ =	strace s9  }
0x27: {  	s1 =	sld [smem:$0x3FAE]  }
0x28: {  	s2 =	sld [smem:$0x3FAF]  }
0x29: {  	s4 =	sld [smem:$0x3FB1]  }
0x2a: {  	p0 =	seq.s32 s5, $0x0;
	s5 =	sld [smem:$0x3FB2]  }
0x2b: {  	s6 =	sld [smem:$0x3FB3]  }
0x2c: {  	s7 =	sld [smem:$0x3FB4]  }
0x2d: {  	s3 =	simm.s32 $0x108;
	s8 =	sld [smem:$0x3FB5]  }
0x2e: {  	s3 =	simm.s32 @!p0 $0x1082;
	s9 =	sld [smem:$0x3FB6]  }
0x2f: {  	lr =	sadd.s32 s0, s3;
	s0 =	sld [smem:$0x3FAD]  }
0x30: {  	s3 =	sld [smem:$0x3FB0]  }
0x31: {  	[smem:$0x3FB9] =	sst s10  }
0x32: {  	s10 =	sld [smem:$0x3FB7];
	_ =	sdelay $0x3  }
0x33: {  	p0 =	seq.s32 s10, $0x1;
	s10 =	sld [smem:$0x3FB9];
	_ =	sdelay $0x3  }
0x34: {  	[smem:$0x3FB9] =	sst s10  }
0x35: {  	s10 =	sld [smem:$0x3FB8];
	_ =	sdelay $0x3  }
0x36: {  	p1 =	seq.s32 s10, $0x1;
	s10 =	sld [smem:$0x3FB9];
	_ =	sdelay $0x3  }
0x37: {  	[smem:$0x3FB9] =	sst s10  }
0x38: {  	s10 =	sld [smem:$0x3FBA]  }
0x39: {  	_ = 	snop;
	(pc) =	sbr.ind lr, $3  }
0x3a: {  	_ = 	snop  }
0x3b: {  	_ = 	snop  }
0x3c: {  	p2 =	seq.s32 s10, $0x1;
	s10 =	sld [smem:$0x3FB9]  }
0x3d: {  	_ =	shalt  }
0x3e: {  	_ =	shalt  }
0x3f: {  	_ =	shalt  }
0x40: {  	_ =	shalt  }
0x41: {  	_ =	shalt  }
0x42: {  	_ =	shalt  }
0x43: {  	_ =	shalt  }
0x44: {  	_ =	shalt  }
0x45: {  	_ =	shalt  }
0x46: {  	_ =	shalt  }
0x47: {  	_ =	shalt  }
0x48: {  	_ =	shalt  }
0x49: {  	_ =	shalt  }
0x4a: {  	_ =	shalt  }
0x4b: {  	_ =	shalt  }
0x4c: {  	_ =	shalt  }
0x4d: {  	_ =	shalt  }
0x4e: {  	_ =	shalt  }
0x4f: {  	_ =	shalt  }
0x50: {  	_ =	shalt  }
0x51: {  	_ =	shalt  }
0x52: {  	_ =	shalt  }
0x53: {  	_ =	shalt  }
0x54: {  	_ =	shalt  }
0x55: {  	_ =	shalt  }
0x56: {  	_ =	shalt  }
0x57: {  	_ =	shalt  }
0x58: {  	_ =	shalt  }
0x59: {  	_ =	shalt  }
0x5a: {  	_ =	shalt  }
0x5b: {  	_ =	shalt  }
0x5c: {  	_ =	shalt  }
0x5d: {  	_ =	shalt  }
0x5e: {  	_ =	shalt  }
0x5f: {  	_ =	shalt  }
0x60: {  	_ =	shalt  }
0x61: {  	_ =	shalt  }
0x62: {  	_ =	shalt  }
0x63: {  	_ =	shalt  }
0x64: {  	_ =	shalt  }
0x65: {  	_ =	shalt  }
0x66: {  	_ =	shalt  }
0x67: {  	_ =	shalt  }
0x68: {  	_ =	shalt  }
0x69: {  	_ =	shalt  }
0x6a: {  	_ =	shalt  }
0x6b: {  	_ =	shalt  }
0x6c: {  	_ =	shalt  }
0x6d: {  	_ =	shalt  }
0x6e: {  	_ =	shalt  }
0x6f: {  	_ =	shalt  }
0x70: {  	_ =	shalt  }
0x71: {  	_ =	shalt  }
0x72: {  	_ =	shalt  }
0x73: {  	_ =	shalt  }
0x74: {  	_ =	shalt  }
0x75: {  	_ =	shalt  }
0x76: {  	_ =	shalt  }
0x77: {  	_ =	shalt  }
0x78: {  	_ =	shalt  }
0x79: {  	_ =	shalt  }
0x7a: {  	_ =	shalt  }
0x7b: {  	_ =	shalt  }
0x7c: {  	_ =	shalt  }
0x7d: {  	_ =	shalt  }
0x7e: {  	_ =	shalt  }
0x7f: {  	_ =	shalt  }
0x80: {  	_ =	shalt  }
0x81: {  	_ =	shalt  }
0x82: {  	_ =	shalt  }
0x83: {  	_ =	shalt  }
0x84: {  	_ =	shalt  }
0x85: {  	_ =	shalt  }
0x86: {  	_ =	shalt  }
0x87: {  	_ =	shalt  }
.Lfunc_end0:
.L_simem_size_0:
called_computation_lowered:
.L_overlay_start_0:
0x88: {  	s2 =	sld [smem:$0x3FD9]  }
0x89: {  	s3 =	sld [smem:$0x3FFE];
	_ =	sdelay $0x1  }
0x8a: {  	s1 =	srdreg.scid  }
0x8b: {  	s0 =	sand.u32 $0x1, s1  }
0x8c: {  	s18 =	sshll.u32 s0, $0xA;
	s2 =	sadd.s32 s3, s2  }
0x8d: {  	s2 =	sadd.s32 s2, s18  }
0x8e: {  	[smem:$0x3FC5] =	sst s2  }
0x8f: {  	_ = 	snop  }
0x90: {  	s2 =	sld [smem:$0x3FC9]  }
0x91: {  	s19 =	sld [smem:$0x3FC8]  }
0x92: {  	s4 =	sld [smem:$0x3FC7]  }
0x93: {  	s5 =	sld [smem:$0x3FD0];
	(tm) =	ssettm $0x1  }
0x94: {  	s6 =	sld [smem:$0x3FFB];
	_ =	sdelay $0x3  }
0x95: {  	_ =	strace s6  }
0x96: {  	s6 =	sld [smem:$0x3FFC];
	_ =	sdelay $0x3  }
0x97: {  	_ =	strace s6  }
0x98: {  	s6 =	sld [smem:$0x3FFD];
	_ =	sdelay $0x3  }
0x99: {  	_ =	strace s6  }
0x9a: {  	_ =	strace $0x8FFFFFFF  }
0x9b: {  	s20 =	sld [smem:$0x3FDB];
	_ =	sdelay $0x1  }
0x9c: {  	s7 =	simm.s32 $_scs_section_size  }
0x9d: {  	s8 =	simm.s32 $_size__tile_overlayer_lowered;
	s9 =	simm.s32 $_tile_overlayer_lowered  }
0x9e: {  	s23 =	simm.s32 $0x1BFF;
	s22 =	sshll.u32 s9, $0x1;
	s6 =	sadd.s32 s7, s20  }
0x9f: {  	s10 =	simm.s32 $0x0;
	s21 =	sshll.u32 s8, $0x1;
	s8 =	sadd.s32 s22, s6  }
0xa0: {  	[timem:s10], [sflag:s23] =	dma.local [hbm:s8], s21  }
0xa1: {  	_ =	swait.ge [sflag:s23], s21  }
0xa2: {  	s7 =	ssub.s32 $0x0, s21;
	[sflag:s23] =	ssyncset.done $0x0  }
0xa3: {  	[sflag:s23] =	ssyncadd.s32 s7;
	_ =	sdelay $0x1  }
0xa4: {  	s24 =	simm.s32 $0x1B8B  }
0xa5: {  	_ =	swait.ge [sflag:s24], $0x1  }
0xa6: {  	[sflag:s24] =	ssyncset.done $0x0  }
0xa7: {  	s25 =	simm.s32 $0x1B8E;
	[sflag:s24] =	ssyncadd.s32 $0xFFFFFFFF  }
0xa8: {  	s26 =	simm.s32 $execute0_lowered;
	[smem:$0x3FD2] =	sst s25  }
0xa9: {  	s7 =	sshll.u32 s26, $0x1;
	_ =	strace $0x80000046;
	[dreg:$0x1] =	wrdreg $0xFFFFFFFF  }
0xaa: {  	s28 =	simm.s32 $_size_execute0_lowered;
	s6 =	sadd.s32 s6, s7;
	[dreg:$0x0] =	wrdreg $0x0  }
0xab: {  	s7 =	sshll.u32 s28, $0x1;
	[dreg:$0x2] =	wrdreg s6  }
0xac: {  	[dreg:$0x3] =	wrdreg s7  }
0xad: {  	[dreg:$0x4] =	wrdreg $0xC0  }
0xae: {  	_ =	task [dreg:s10], $0x5FFFF  }
0xaf: {  	[dreg:$0x1] =	wrdreg $0xFFFFFFFF  }
0xb0: {  	[dreg:$0x0] =	wrdreg $0x60  }
0xb1: {  	[dreg:$0x2] =	wrdreg s2  }
0xb2: {  	[dreg:$0x3] =	wrdreg s19  }
0xb3: {  	[dreg:$0x4] =	wrdreg s4  }
0xb4: {  	[dreg:$0x5] =	wrdreg s5  }
0xb5: {  	[dreg:$0x6] =	wrdreg $0xB7000  }
0xb6: {  	[dreg:$0x7] =	wrdreg $0x9  }
0xb7: {  	_ =	task.clear_ibuf [dreg:s10], $0x8FFFF;
	_ =	strace $0x90000046  }
0xb8: {  	s29 =	simm.s32 $0x9;
	_ =	strace $0x80000048  }
0xb9: {  	_ =	swait.ge [sflag:s29], $0x1  }
0xba: {  	[sflag:s29] =	ssyncadd.s32 $0xFFFFFFFF  }
0xbb: {  	_ =	strace $0x90000048  }
0xbc: {  	_ =	sfence  }
0xbd: {  	s30 =	sld [smem:$0x0];
	_ =	sdelay $0x2  }
0xbe: {  	s31 =	sshll.u32 s1, $0xD;
	s1 =	sshrl.u32 s1, $0x2  }
0xbf: {  	s3 =	sand.u32 $0x4000, s31;
	s1 =	sadd.s32 s1, s30  }
0xc0: {  	s0 =	sor.u32 s3, s0;
	s1 =	sshll.u32 s1, $0x11  }
0xc1: {  	s0 =	sor.u32 s1, s0  }
0xc2: {  	s0 =	sadd.s32 $0x8F2B, s0  }
0xc3: {  	[sflag:s0] =	ssyncadd.remote.s32 $0x1  }
0xc4: {  	_ =	sfence.sel $0xFFFF  }
0xc5: {  	[dreg:$0x0] =	wrdreg $0xFFFFFFFF;
	(pc) =	sbr.abs _section_cstart, $3  }
0xc6: {  	[dreg:$0x1] =	wrdreg $0xFFFFFFFF  }
0xc7: {  	_ =	task.clear_ibuf [dreg:s10], $0x2FFFF;
	_ =	strace $0x9FFFFFFF  }
0xc8: {  	(tm) =	ssettm $0x7FFFFFFF  }
0xc9: {  	_ =	shalt  }
tec
execute0_lowered:
.L_overlay_start_1:
0x0: {  	(tag) =	ssettag $0x1  }
0x1: {  	s1 =	rddreg [dreg:$0x0]  }
0x2: {  	s2 =	rddreg [dreg:$0x1]  }
0x3: {  	s3 =	rddreg [dreg:$0x2]  }
0x4: {  	s0 =	srdreg.scid;
	s4 =	rddreg [dreg:$0x3]  }
0x5: {  	s14 =	stileid.u32;
	s5 =	rddreg [dreg:$0x4];
	s28 =	simm.s32 $0x200  }
0x6: {  	s29 =	simm.s32 $0x100;
	s30 =	simm.s32 $0x280;
	s8 =	smul.u32 $0x4F000, s14  }
0x7: {  	s0 =	sand.u32 $0x1, s0;
	s6 =	sshll.u32 s14, $0x1;
	s24 =	smul.u32 $0x4EC0, s14  }
0x8: {  	s31 =	simm.s32 $0x2;
	s7 =	sor.u32 s0, s6;
	s13 =	smul.u32 $0x2760, s0  }
0x9: {  	s9 =	ssub.s32 $0x2, s0;
	s0 =	smul.u32 $0x13C000, s0;
	s8 =	sshrl.u32 s8, $0x2  }
0xa: {  	s6 =	simm.s32 $0x0;
	s7 =	smul.u32 $0x2760, s7;
	s8 =	sadd.s32 s8, s5  }
0xb: {  	[smem:$0x7FF] =	sst s6;
	s10 =	sshrl.u32 s9, $0x1;
	s17 =	sadd.s32 $0x3C00, s8  }
0xc: {  	_ =	strace $0x80000047;
	s12 =	sadd.s32 $0x7800, s8;
	[dreg:$0x11] =	wrdreg s17  }
0xd: {  	s9 =	ssub.s32 s9, s10;
	s19 =	sadd.s32 $0xB400, s8;
	[dreg:$0x12] =	wrdreg s12  }
0xe: {  	s11 =	sshrl.u32 s7, $0x3;
	s20 =	sadd.s32 $0xF000, s8;
	[dreg:$0x13] =	wrdreg s19  }
0xf: {  	s18 =	sadd.s32 $0x78, s7;
	s21 =	sadd.s32 $0x12C00, s8;
	[dreg:$0x14] =	wrdreg s20  }
0x10: {  	s26 =	sadd.s32 $0x2D0, s7;
	s15 =	sadd.s32 s2, s11;
	[dreg:$0x15] =	wrdreg s21  }
0x11: {  	s16 =	sadd.s32 s3, s11;
	s10 =	sshrl.u32 s18, $0x3;
	[dreg:$0x6] =	wrdreg s26  }
0x12: {  	s23 =	sadd.s32 $0x1E, s11;
	s11 =	sadd.s32 s13, s24;
	[dreg:$0xf] =	wrdreg s15  }
0x13: {  	s12 =	simm.s32 $0x0;
	[dreg:$0x10] =	wrdreg s16;
	s22 =	sadd.s32 s2, s10  }
0x14: {  	s10 =	sadd.s32 s3, s10;
	s25 =	sadd.s32 s2, s23;
	[dreg:$0x16] =	wrdreg s22  }
0x15: {  	s18 =	sadd.s32 s3, s23;
	s15 =	sadd.s32 $0x348, s7;
	[dreg:$0x17] =	wrdreg s10  }
0x16: {  	s16 =	smul.u32 $0x13C00, s14;
	s7 =	sadd.s32 $0x3C0, s7;
	[dreg:$0x18] =	wrdreg s25  }
0x17: {  	s17 =	sadd.s32 $0x258, s11;
	s20 =	sadd.s32 $0x1E0, s11;
	[dreg:$0x7] =	wrdreg s15  }
0x18: {  	s11 =	sadd.s32 $0x168, s11;
	[dreg:$0x8] =	wrdreg s7;
	s19 =	sshrl.u32 s17, $0x3  }
0x19: {  	s21 =	sshrl.u32 s20, $0x3;
	s24 =	sshrl.u32 s11, $0x3;
	s10 =	sadd.s32 s19, s3  }
0x1a: {  	s20 =	smax.u32 s9, $0x1;
	s7 =	sadd.s32 s19, s2;
	[dreg:$0x9] =	wrdreg s10  }
0x1b: {  	s9 =	simm.s32 $0x7B00;
	s22 =	sadd.s32 s21, s3;
	[dreg:$0xa] =	wrdreg s7  }
0x1c: {  	s11 =	simm.s32 $0x6;
	s23 =	sadd.s32 s21, s2;
	[dreg:$0xb] =	wrdreg s22  }
0x1d: {  	s0 =	sadd.s32 s16, s0;
	s25 =	sadd.s32 s24, s3;
	[dreg:$0xc] =	wrdreg s23  }
0x1e: {  	s26 =	sadd.s32 s24, s2;
	s21 =	simm.s32 $0x180;
	[dreg:$0xd] =	wrdreg s25  }
0x1f: {  	s24 =	simm.s32 $0x1;
	s0 =	sshrl.u32 s0, $0x3;
	[dreg:$0xe] =	wrdreg s26  }
0x20: {  	s22 =	simm.s32 $0x300;
	s23 =	simm.s32 $0x7;
	s25 =	simm.s32 $0x78  }
0x21: {  	s26 =	simm.s32 $0x80;
	s7 =	simm.s32 $0x3;
	s10 =	simm.s32 $0x5  }
0x22: {  	v0 =	vimm.f32 $0.0e+00;
	s19 =	sadd.s32 s4, s0;
	s4 =	simm.s32 $0x3F00;
	s0 =	simm.s32 $0x4  }
.LBB2_1:
0x23: {  	s13 =	rddreg [dreg:$0xf]  }
0x24: {  	[tilespmem:s6], [sflag:$0x1] =	stream.linear.gather [hbm4b:s13+s6], $0x78, $0x38;
	[tilespmem:$0x1F300] =	vst v63  }
0x25: {  	s17 =	rddreg [dreg:$0x10];
	s13 =	simm.s32 $0x400  }
0x26: {  	[tilespmem:s21], [sflag:$0x1] =	stream.linear.gather [hbm4b:s17+s6], $0x78, $0x38;
	[tilespmem:$0x1F300] =	vst v63  }
0x27: {  	[tilespmem:s13+$0xFFFFFF00] =	vst v0  }
0x28: {  	[tilespmem:s13+$0xF0] =	vst v0  }
0x29: {  	[tilespmem:s13+$0xE0] =	vst v0  }
0x2a: {  	[tilespmem:s13+$0xD0] =	vst v0  }
0x2b: {  	[tilespmem:s13+$0xC0] =	vst v0  }
0x2c: {  	[tilespmem:s13+$0xB0] =	vst v0  }
0x2d: {  	[tilespmem:s13+$0xA0] =	vst v0  }
0x2e: {  	[tilespmem:s13+$0x90] =	vst v0  }
0x2f: {  	[tilespmem:s13+$0x80] =	vst v0  }
0x30: {  	[tilespmem:s13+$0x70] =	vst v0  }
0x31: {  	[tilespmem:s13+$0x60] =	vst v0  }
0x32: {  	[tilespmem:s13+$0x50] =	vst v0  }
0x33: {  	[tilespmem:s13+$0x40] =	vst v0  }
0x34: {  	[tilespmem:s13+$0x30] =	vst v0  }
0x35: {  	[tilespmem:s13+$0x20] =	vst v0  }
0x36: {  	[tilespmem:s13+$0x10] =	vst v0  }
0x37: {  	[tilespmem:s13+$0x0] =	vst v0  }
0x38: {  	[tilespmem:s13+$0xFFFFFFF0] =	vst v0  }
0x39: {  	[tilespmem:s13+$0xFFFFFFE0] =	vst v0  }
0x3a: {  	[tilespmem:s13+$0xFFFFFFD0] =	vst v0  }
0x3b: {  	[tilespmem:s13+$0xFFFFFFC0] =	vst v0  }
0x3c: {  	[tilespmem:s13+$0xFFFFFFB0] =	vst v0  }
0x3d: {  	[tilespmem:s13+$0xFFFFFFA0] =	vst v0  }
0x3e: {  	[tilespmem:s13+$0xFFFFFF90] =	vst v0  }
0x3f: {  	[tilespmem:s13+$0xFFFFFF80] =	vst v0  }
0x40: {  	[tilespmem:s13+$0xFFFFFF70] =	vst v0  }
0x41: {  	[tilespmem:s13+$0xFFFFFF60] =	vst v0  }
0x42: {  	[tilespmem:s13+$0xFFFFFF50] =	vst v0  }
0x43: {  	[tilespmem:s13+$0xFFFFFF40] =	vst v0  }
0x44: {  	[tilespmem:s13+$0xFFFFFF30] =	vst v0  }
0x45: {  	s14 =	simm.s32 $0x0;
	[tilespmem:s13+$0xFFFFFF20] =	vst v0  }
.LBB2_2:
0x46: {  	s14 =	sadd.s32 $0x4, s14;
	[tilespmem:s13+$0xFFFFFF10] =	vst v0;
	s13 =	sadd.s32 $0x200, s13  }
0x47: {  	[tilespmem:s13+$0xFFFFFF00] =	vst v0;
	p0 =	slt.u32 s14, $0x74  }
0x48: {  	[tilespmem:s13+$0xF0] =	vst v0  }
0x49: {  	[tilespmem:s13+$0xE0] =	vst v0  }
0x4a: {  	[tilespmem:s13+$0xD0] =	vst v0  }
0x4b: {  	[tilespmem:s13+$0xC0] =	vst v0  }
0x4c: {  	[tilespmem:s13+$0xB0] =	vst v0  }
0x4d: {  	[tilespmem:s13+$0xA0] =	vst v0  }
0x4e: {  	[tilespmem:s13+$0x90] =	vst v0  }
0x4f: {  	[tilespmem:s13+$0x80] =	vst v0  }
0x50: {  	[tilespmem:s13+$0x70] =	vst v0  }
0x51: {  	[tilespmem:s13+$0x60] =	vst v0  }
0x52: {  	[tilespmem:s13+$0x50] =	vst v0  }
0x53: {  	[tilespmem:s13+$0x40] =	vst v0  }
0x54: {  	[tilespmem:s13+$0x30] =	vst v0  }
0x55: {  	[tilespmem:s13+$0x20] =	vst v0  }
0x56: {  	[tilespmem:s13+$0x10] =	vst v0  }
0x57: {  	[tilespmem:s13+$0x0] =	vst v0  }
0x58: {  	[tilespmem:s13+$0xFFFFFFF0] =	vst v0  }
0x59: {  	[tilespmem:s13+$0xFFFFFFE0] =	vst v0  }
0x5a: {  	[tilespmem:s13+$0xFFFFFFD0] =	vst v0  }
0x5b: {  	[tilespmem:s13+$0xFFFFFFC0] =	vst v0  }
0x5c: {  	[tilespmem:s13+$0xFFFFFFB0] =	vst v0  }
0x5d: {  	[tilespmem:s13+$0xFFFFFFA0] =	vst v0  }
0x5e: {  	[tilespmem:s13+$0xFFFFFF90] =	vst v0  }
0x5f: {  	[tilespmem:s13+$0xFFFFFF80] =	vst v0  }
0x60: {  	[tilespmem:s13+$0xFFFFFF70] =	vst v0  }
.Ltmp0:
0x61: {  	[tilespmem:s13+$0xFFFFFF60] =	vst v0;
	(pc) =	sbr.rel @p0 .LBB2_2-.Ltmp0, $4  }
0x62: {  	[tilespmem:s13+$0xFFFFFF50] =	vst v0  }
0x63: {  	[tilespmem:s13+$0xFFFFFF40] =	vst v0  }
0x64: {  	[tilespmem:s13+$0xFFFFFF30] =	vst v0  }
0x65: {  	[tilespmem:s13+$0xFFFFFF20] =	vst v0  }
0x66: {  	[tilespmem:s13+$0xFFFFFF10] =	vst v0  }
0x67: {  	[spmem:s8] =	stream.linear.scatter [tilespmem:s22], [sflag:$0x7], $0x3C00, $0x38;
	[tilespmem:$0x1F300] =	vst v63  }
0x68: {  	_ =	swait.ge [sflag:s23], $0x3C00  }
0x69: {  	[sflag:s23] =	ssyncset.done $0x0  }
0x6a: {  	s16 =	rddreg [dreg:$0x11];
	[sflag:s23] =	ssyncadd.s32 $0xFFFFC400  }
0x6b: {  	[spmem:s16] =	stream.linear.scatter [tilespmem:s22], [sflag:$0x7], $0x3C00, $0x38;
	[tilespmem:$0x1F300] =	vst v63  }
0x6c: {  	_ =	swait.ge [sflag:s23], $0x3C00  }
0x6d: {  	[sflag:s23] =	ssyncset.done $0x0  }
0x6e: {  	s17 =	rddreg [dreg:$0x12];
	[sflag:s23] =	ssyncadd.s32 $0xFFFFC400  }
0x6f: {  	[spmem:s17] =	stream.linear.scatter [tilespmem:s22], [sflag:$0x7], $0x3C00, $0x38;
	[tilespmem:$0x1F300] =	vst v63  }
0x70: {  	_ =	swait.ge [sflag:s23], $0x3C00  }
0x71: {  	[sflag:s23] =	ssyncset.done $0x0  }
0x72: {  	s14 =	rddreg [dreg:$0x13];
	[sflag:s23] =	ssyncadd.s32 $0xFFFFC400  }
0x73: {  	[spmem:s14] =	stream.linear.scatter [tilespmem:s22], [sflag:$0x7], $0x3C00, $0x38;
	[tilespmem:$0x1F300] =	vst v63  }
0x74: {  	_ =	swait.ge [sflag:s23], $0x3C00  }
0x75: {  	[sflag:s23] =	ssyncset.done $0x0  }
0x76: {  	s15 =	rddreg [dreg:$0x14];
	[sflag:s23] =	ssyncadd.s32 $0xFFFFC400  }
0x77: {  	[spmem:s15] =	stream.linear.scatter [tilespmem:s22], [sflag:$0x7], $0x3C00, $0x38;
	[tilespmem:$0x1F300] =	vst v63  }
0x78: {  	_ =	swait.ge [sflag:s23], $0x3C00  }
0x79: {  	[sflag:s23] =	ssyncset.done $0x0  }
0x7a: {  	s16 =	rddreg [dreg:$0x15];
	[sflag:s23] =	ssyncadd.s32 $0xFFFFC400  }
0x7b: {  	[spmem:s16] =	stream.linear.scatter [tilespmem:s22], [sflag:$0x7], $0x1000, $0x38;
	[tilespmem:$0x1F300] =	vst v63  }
0x7c: {  	_ =	swait.ge [sflag:s23], $0x1000  }
0x7d: {  	[sflag:s23] =	ssyncset.done $0x0  }
0x7e: {  	[sflag:s23] =	ssyncadd.s32 $0xFFFFF000  }
0x7f: {  	[bflag:$0x0] =	sbarrier.arrive $0xFFFF  }
0x80: {  	_ =	swait.ge [sflag:s24], $0x78  }
0x81: {  	[sflag:s24] =	ssyncset.done $0x0  }
0x82: {  	[sflag:s24] =	ssyncadd.s32 $0xFFFFFF88  }
0x83: {  	_ =	swait.ge [sflag:s24], $0x78  }
0x84: {  	[sflag:s24] =	ssyncset.done $0x0  }
0x85: {  	s13 =	simm.s32 $0x0;
	[sflag:s24] =	ssyncadd.s32 $0xFFFFFF88  }
0x86: {  	[tilespmem:s22], [sflag:$0x4] =	stream.indirect.gather [hbm4b:s1+s25], $0x80, s13, s25, $0xb8;
	[tilespmem:$0x1F300] =	vst v63  }
0x87: {  	s14 =	rddreg [dreg:$0x16]  }
0x88: {  	[tilespmem:s26], [sflag:$0x2] =	stream.linear.gather [hbm4b:s14+s13], $0x78, $0x38;
	[tilespmem:$0x1F300] =	vst v63  }
0x89: {  	s17 =	rddreg [dreg:$0x17]  }
0x8a: {  	[tilespmem:s28], [sflag:$0x2] =	stream.linear.gather [hbm4b:s17+s13], $0x78, $0x38;
	[tilespmem:$0x1F300] =	vst v63  }
0x8b: {  	s15 =	rddreg [dreg:$0x18]  }
0x8c: {  	[tilespmem:s29], [sflag:$0x3] =	stream.linear.gather [hbm4b:s15+s13], $0x78, $0x38;
	[tilespmem:$0x1F300] =	vst v63  }
0x8d: {  	_ = 	snop  }
0x8e: {  	[tilespmem:s30], [sflag:$0x3] =	stream.linear.gather [hbm4b:s18+s13], $0x78, $0x38;
	[tilespmem:$0x1F300] =	vst v63  }
0x8f: {  	_ =	swait.ge [sflag:s31], $0x78  }
0x90: {  	[sflag:s31] =	ssyncset.done $0x0  }
0x91: {  	[sflag:s31] =	ssyncadd.s32 $0xFFFFFF88  }
0x92: {  	_ =	swait.ge [sflag:s31], $0x78  }
0x93: {  	[sflag:s31] =	ssyncset.done $0x0  }
0x94: {  	[sflag:s31] =	ssyncadd.s32 $0xFFFFFF88  }
0x95: {  	[tilespmem:s4], [sflag:$0x5] =	stream.indirect.gather [hbm4b:s1+s25], $0x80, s26, s25, $0xb8;
	[tilespmem:$0x1F300] =	vst v63  }
0x96: {  	_ =	swait.ge [sflag:s0], $0x3C00  }
0x97: {  	[sflag:s0] =	ssyncset.done $0x0  }
0x98: {  	[sflag:s0] =	ssyncadd.s32 $0xFFFFC400  }
0x99: {  	[spmem:s5] =	stream.indirect.scatter.add.f32 [tilespmem:s22], [sflag:$0x7], $0x80, s21, s25, $0xb8;
	[tilespmem:$0x1F300] =	vst v63  }
0x9a: {  	_ =	swait.ge [sflag:s23], $0x3C00  }
0x9b: {  	s16 =	rddreg [dreg:$0xe];
	[sflag:s23] =	ssyncset.done $0x0  }
0x9c: {  	s15 =	rddreg [dreg:$0xd];
	[sflag:s23] =	ssyncadd.s32 $0xFFFFC400;
	s14 =	sadd.s32 $0x0, s16  }
0x9d: {  	[tilespmem:s6], [sflag:$0x1] =	stream.linear.gather [hbm4b:s14+s6], $0x78, $0x38;
	[tilespmem:$0x1F300] =	vst v63  }
0x9e: {  	s17 =	sadd.s32 $0x0, s15  }
0x9f: {  	[tilespmem:s21], [sflag:$0x1] =	stream.linear.gather [hbm4b:s17+s6], $0x78, $0x38;
	[tilespmem:$0x1F300] =	vst v63  }
0xa0: {  	_ =	swait.ge [sflag:s7], $0x78  }
0xa1: {  	[sflag:s7] =	ssyncset.done $0x0  }
0xa2: {  	[sflag:s7] =	ssyncadd.s32 $0xFFFFFF88  }
0xa3: {  	_ =	swait.ge [sflag:s7], $0x78  }
0xa4: {  	[sflag:s7] =	ssyncset.done $0x0  }
0xa5: {  	[sflag:s7] =	ssyncadd.s32 $0xFFFFFF88  }
0xa6: {  	[tilespmem:s9], [sflag:$0x6] =	stream.indirect.gather [hbm4b:s1+s25], $0x80, s29, s25, $0xb8;
	[tilespmem:$0x1F300] =	vst v63  }
0xa7: {  	_ =	swait.ge [sflag:s10], $0x3C00  }
0xa8: {  	[sflag:s10] =	ssyncset.done $0x0  }
0xa9: {  	[sflag:s10] =	ssyncadd.s32 $0xFFFFC400  }
0xaa: {  	[spmem:s5] =	stream.indirect.scatter.add.f32 [tilespmem:s4], [sflag:$0x7], $0x80, s28, s25, $0xb8;
	[tilespmem:$0x1F300] =	vst v63  }
0xab: {  	_ =	swait.ge [sflag:s23], $0x3C00  }
0xac: {  	s15 =	rddreg [dreg:$0xc];
	[sflag:s23] =	ssyncset.done $0x0  }
0xad: {  	s16 =	rddreg [dreg:$0xb];
	[sflag:s23] =	ssyncadd.s32 $0xFFFFC400;
	s14 =	sadd.s32 $0x0, s15  }
0xae: {  	[tilespmem:s26], [sflag:$0x2] =	stream.linear.gather [hbm4b:s14+s6], $0x78, $0x38;
	[tilespmem:$0x1F300] =	vst v63  }
0xaf: {  	s17 =	sadd.s32 $0x0, s16  }
0xb0: {  	[tilespmem:s28], [sflag:$0x2] =	stream.linear.gather [hbm4b:s17+s6], $0x78, $0x38;
	[tilespmem:$0x1F300] =	vst v63  }
0xb1: {  	_ =	swait.ge [sflag:s24], $0x78  }
0xb2: {  	[sflag:s24] =	ssyncset.done $0x0  }
0xb3: {  	[sflag:s24] =	ssyncadd.s32 $0xFFFFFF88  }
0xb4: {  	_ =	swait.ge [sflag:s24], $0x78  }
0xb5: {  	[sflag:s24] =	ssyncset.done $0x0  }
0xb6: {  	[sflag:s24] =	ssyncadd.s32 $0xFFFFFF88  }
0xb7: {  	[tilespmem:s22], [sflag:$0x4] =	stream.indirect.gather [hbm4b:s1+s25], $0x80, s6, s25, $0xb8;
	[tilespmem:$0x1F300] =	vst v63  }
0xb8: {  	_ =	swait.ge [sflag:s11], $0x3C00  }
0xb9: {  	[sflag:s11] =	ssyncset.done $0x0  }
0xba: {  	[sflag:s11] =	ssyncadd.s32 $0xFFFFC400  }
0xbb: {  	[spmem:s5] =	stream.indirect.scatter.add.f32 [tilespmem:s9], [sflag:$0x7], $0x80, s30, s25, $0xb8;
	[tilespmem:$0x1F300] =	vst v63  }
0xbc: {  	_ =	swait.ge [sflag:s23], $0x3C00  }
0xbd: {  	s15 =	rddreg [dreg:$0xa];
	[sflag:s23] =	ssyncset.done $0x0  }
0xbe: {  	s16 =	rddreg [dreg:$0x9];
	[sflag:s23] =	ssyncadd.s32 $0xFFFFC400;
	s14 =	sadd.s32 $0x0, s15  }
0xbf: {  	[tilespmem:s29], [sflag:$0x3] =	stream.linear.gather [hbm4b:s14+s6], $0x78, $0x38;
	[tilespmem:$0x1F300] =	vst v63  }
0xc0: {  	s17 =	sadd.s32 $0x0, s16  }
0xc1: {  	[tilespmem:s30], [sflag:$0x3] =	stream.linear.gather [hbm4b:s17+s6], $0x78, $0x38;
	[tilespmem:$0x1F300] =	vst v63  }
0xc2: {  	_ =	swait.ge [sflag:s31], $0x78  }
0xc3: {  	[sflag:s31] =	ssyncset.done $0x0  }
0xc4: {  	[sflag:s31] =	ssyncadd.s32 $0xFFFFFF88  }
0xc5: {  	_ =	swait.ge [sflag:s31], $0x78  }
0xc6: {  	[sflag:s31] =	ssyncset.done $0x0  }
0xc7: {  	[sflag:s31] =	ssyncadd.s32 $0xFFFFFF88  }
0xc8: {  	[tilespmem:s4], [sflag:$0x5] =	stream.indirect.gather [hbm4b:s1+s25], $0x80, s26, s25, $0xb8;
	[tilespmem:$0x1F300] =	vst v63  }
0xc9: {  	_ =	swait.ge [sflag:s0], $0x3C00  }
0xca: {  	[sflag:s0] =	ssyncset.done $0x0  }
0xcb: {  	s15 =	smin.u32 s13, $0x4D;
	[sflag:s0] =	ssyncadd.s32 $0xFFFFC400  }
0xcc: {  	[spmem:s5] =	stream.indirect.scatter.add.f32 [tilespmem:s22], [sflag:$0x7], $0x80, s21, s25, $0xb8;
	[tilespmem:$0x1F300] =	vst v63  }
0xcd: {  	s14 =	smul.u32 $0x78, s15;
	_ =	swait.ge [sflag:s23], $0x3C00  }
0xce: {  	s16 =	rddreg [dreg:$0x6]  }
0xcf: {  	s14 =	sadd.s32 s14, s16  }
0xd0: {  	[sflag:s23] =	ssyncset.done $0x0;
	s14 =	sshrl.u32 s14, $0x3  }
0xd1: {  	[sflag:s23] =	ssyncadd.s32 $0xFFFFC400;
	s17 =	sadd.s32 s2, s14  }
0xd2: {  	[tilespmem:s6], [sflag:$0x1] =	stream.linear.gather [hbm4b:s17+s6], $0x78, $0x38;
	[tilespmem:$0x1F300] =	vst v63  }
0xd3: {  	s14 =	sadd.s32 s3, s14  }
0xd4: {  	[tilespmem:s21], [sflag:$0x1] =	stream.linear.gather [hbm4b:s14+s6], $0x78, $0x38;
	[tilespmem:$0x1F300] =	vst v63  }
0xd5: {  	_ =	swait.ge [sflag:s7], $0x78  }
0xd6: {  	[sflag:s7] =	ssyncset.done $0x0  }
0xd7: {  	[sflag:s7] =	ssyncadd.s32 $0xFFFFFF88  }
0xd8: {  	_ =	swait.ge [sflag:s7], $0x78  }
0xd9: {  	[sflag:s7] =	ssyncset.done $0x0  }
0xda: {  	[sflag:s7] =	ssyncadd.s32 $0xFFFFFF88  }
0xdb: {  	[tilespmem:s9], [sflag:$0x6] =	stream.indirect.gather [hbm4b:s1+s25], $0x80, s29, s25, $0xb8;
	[tilespmem:$0x1F300] =	vst v63  }
0xdc: {  	_ =	swait.ge [sflag:s10], $0x3C00  }
0xdd: {  	[sflag:s10] =	ssyncset.done $0x0  }
0xde: {  	s16 =	smin.u32 s13, $0x4C;
	[sflag:s10] =	ssyncadd.s32 $0xFFFFC400  }
0xdf: {  	[spmem:s5] =	stream.indirect.scatter.add.f32 [tilespmem:s4], [sflag:$0x7], $0x80, s28, s25, $0xb8;
	[tilespmem:$0x1F300] =	vst v63  }
0xe0: {  	s14 =	smul.u32 $0x78, s16;
	_ =	swait.ge [sflag:s23], $0x3C00  }
0xe1: {  	s17 =	rddreg [dreg:$0x7]  }
0xe2: {  	s14 =	sadd.s32 s14, s17  }
0xe3: {  	[sflag:s23] =	ssyncset.done $0x0;
	s14 =	sshrl.u32 s14, $0x3  }
0xe4: {  	[sflag:s23] =	ssyncadd.s32 $0xFFFFC400;
	s16 =	sadd.s32 s2, s14  }
0xe5: {  	[tilespmem:s26], [sflag:$0x2] =	stream.linear.gather [hbm4b:s16+s6], $0x78, $0x38;
	[tilespmem:$0x1F300] =	vst v63  }
0xe6: {  	s14 =	sadd.s32 s3, s14  }
0xe7: {  	[tilespmem:s28], [sflag:$0x2] =	stream.linear.gather [hbm4b:s14+s6], $0x78, $0x38;
	[tilespmem:$0x1F300] =	vst v63  }
0xe8: {  	_ =	swait.ge [sflag:s24], $0x78  }
0xe9: {  	[sflag:s24] =	ssyncset.done $0x0  }
0xea: {  	[sflag:s24] =	ssyncadd.s32 $0xFFFFFF88  }
0xeb: {  	_ =	swait.ge [sflag:s24], $0x78  }
0xec: {  	[sflag:s24] =	ssyncset.done $0x0  }
0xed: {  	[sflag:s24] =	ssyncadd.s32 $0xFFFFFF88  }
0xee: {  	[tilespmem:s22], [sflag:$0x4] =	stream.indirect.gather [hbm4b:s1+s25], $0x80, s6, s25, $0xb8;
	[tilespmem:$0x1F300] =	vst v63  }
0xef: {  	_ =	swait.ge [sflag:s11], $0x3C00  }
0xf0: {  	[sflag:s11] =	ssyncset.done $0x0  }
0xf1: {  	s13 =	smin.u32 s13, $0x4B;
	[sflag:s11] =	ssyncadd.s32 $0xFFFFC400  }
0xf2: {  	[spmem:s5] =	stream.indirect.scatter.add.f32 [tilespmem:s9], [sflag:$0x7], $0x80, s30, s25, $0xb8;
	[tilespmem:$0x1F300] =	vst v63  }
0xf3: {  	s13 =	smul.u32 $0x78, s13;
	_ =	swait.ge [sflag:s23], $0x3C00  }
0xf4: {  	s17 =	rddreg [dreg:$0x8]  }
0xf5: {  	s13 =	sadd.s32 s13, s17  }
0xf6: {  	[sflag:s23] =	ssyncset.done $0x0;
	s14 =	sshrl.u32 s13, $0x3  }
0xf7: {  	[sflag:s23] =	ssyncadd.s32 $0xFFFFC400;
	s13 =	sadd.s32 s2, s14  }
0xf8: {  	[tilespmem:s29], [sflag:$0x3] =	stream.linear.gather [hbm4b:s13+s6], $0x78, $0x38;
	[tilespmem:$0x1F300] =	vst v63  }
0xf9: {  	s15 =	sadd.s32 s3, s14;
	s14 =	simm.s32 $0x6;
	s13 =	simm.s32 $0x5A  }
.LBB2_4:
0xfa: {  	[tilespmem:s30], [sflag:$0x3] =	stream.linear.gather [hbm4b:s15+s6], $0x78, $0x38;
	[tilespmem:$0x1F300] =	vst v63  }
0xfb: {  	_ =	swait.ge [sflag:s31], $0x78  }
0xfc: {  	[sflag:s31] =	ssyncset.done $0x0  }
0xfd: {  	[sflag:s31] =	ssyncadd.s32 $0xFFFFFF88  }
0xfe: {  	_ =	swait.ge [sflag:s31], $0x78  }
0xff: {  	[sflag:s31] =	ssyncset.done $0x0  }
0x100: {  	[sflag:s31] =	ssyncadd.s32 $0xFFFFFF88  }
0x101: {  	[tilespmem:s4], [sflag:$0x5] =	stream.indirect.gather [hbm4b:s1+s25], $0x80, s26, s25, $0xb8;
	[tilespmem:$0x1F300] =	vst v63  }
0x102: {  	_ =	swait.ge [sflag:s0], $0x3C00  }
0x103: {  	[sflag:s0] =	ssyncset.done $0x0  }
0x104: {  	[sflag:s0] =	ssyncadd.s32 $0xFFFFC400  }
0x105: {  	[spmem:s5] =	stream.indirect.scatter.add.f32 [tilespmem:s22], [sflag:$0x7], $0x80, s21, s25, $0xb8;
	[tilespmem:$0x1F300] =	vst v63  }
0x106: {  	_ =	swait.ge [sflag:s23], $0x3C00  }
0x107: {  	s15 =	smov.u32 s13;
	s16 =	rddreg [dreg:$0xe];
	[sflag:s23] =	ssyncset.done $0x0  }
0x108: {  	s17 =	rddreg [dreg:$0xd];
	[sflag:s23] =	ssyncadd.s32 $0xFFFFC400;
	s16 =	sadd.s32 s15, s16  }
0x109: {  	[tilespmem:s6], [sflag:$0x1] =	stream.linear.gather [hbm4b:s16+s6], $0x78, $0x38;
	[tilespmem:$0x1F300] =	vst v63  }
0x10a: {  	s17 =	sadd.s32 s15, s17  }
0x10b: {  	[tilespmem:s21], [sflag:$0x1] =	stream.linear.gather [hbm4b:s17+s6], $0x78, $0x38;
	[tilespmem:$0x1F300] =	vst v63  }
0x10c: {  	_ =	swait.ge [sflag:s7], $0x78  }
0x10d: {  	[sflag:s7] =	ssyncset.done $0x0  }
0x10e: {  	[sflag:s7] =	ssyncadd.s32 $0xFFFFFF88  }
0x10f: {  	_ =	swait.ge [sflag:s7], $0x78  }
0x110: {  	[sflag:s7] =	ssyncset.done $0x0  }
0x111: {  	[sflag:s7] =	ssyncadd.s32 $0xFFFFFF88  }
0x112: {  	[tilespmem:s9], [sflag:$0x6] =	stream.indirect.gather [hbm4b:s1+s25], $0x80, s29, s25, $0xb8;
	[tilespmem:$0x1F300] =	vst v63  }
0x113: {  	_ =	swait.ge [sflag:s10], $0x3C00  }
0x114: {  	[sflag:s10] =	ssyncset.done $0x0  }
0x115: {  	[sflag:s10] =	ssyncadd.s32 $0xFFFFC400  }
0x116: {  	[spmem:s5] =	stream.indirect.scatter.add.f32 [tilespmem:s4], [sflag:$0x7], $0x80, s28, s25, $0xb8;
	[tilespmem:$0x1F300] =	vst v63  }
0x117: {  	_ =	swait.ge [sflag:s23], $0x3C00  }
0x118: {  	s16 =	rddreg [dreg:$0xc];
	[sflag:s23] =	ssyncset.done $0x0  }
0x119: {  	s17 =	rddreg [dreg:$0xb];
	[sflag:s23] =	ssyncadd.s32 $0xFFFFC400;
	s16 =	sadd.s32 s15, s16  }
0x11a: {  	[tilespmem:s26], [sflag:$0x2] =	stream.linear.gather [hbm4b:s16+s6], $0x78, $0x38;
	[tilespmem:$0x1F300] =	vst v63  }
0x11b: {  	s17 =	sadd.s32 s15, s17  }
0x11c: {  	[tilespmem:s28], [sflag:$0x2] =	stream.linear.gather [hbm4b:s17+s6], $0x78, $0x38;
	[tilespmem:$0x1F300] =	vst v63  }
0x11d: {  	_ =	swait.ge [sflag:s24], $0x78  }
0x11e: {  	[sflag:s24] =	ssyncset.done $0x0  }
0x11f: {  	[sflag:s24] =	ssyncadd.s32 $0xFFFFFF88  }
0x120: {  	_ =	swait.ge [sflag:s24], $0x78  }
0x121: {  	[sflag:s24] =	ssyncset.done $0x0  }
0x122: {  	[sflag:s24] =	ssyncadd.s32 $0xFFFFFF88  }
0x123: {  	[tilespmem:s22], [sflag:$0x4] =	stream.indirect.gather [hbm4b:s1+s25], $0x80, s6, s25, $0xb8;
	[tilespmem:$0x1F300] =	vst v63  }
0x124: {  	_ =	swait.ge [sflag:s11], $0x3C00  }
0x125: {  	[sflag:s11] =	ssyncset.done $0x0  }
0x126: {  	[sflag:s11] =	ssyncadd.s32 $0xFFFFC400  }
0x127: {  	[spmem:s5] =	stream.indirect.scatter.add.f32 [tilespmem:s9], [sflag:$0x7], $0x80, s30, s25, $0xb8;
	[tilespmem:$0x1F300] =	vst v63  }
0x128: {  	_ =	swait.ge [sflag:s23], $0x3C00  }
0x129: {  	s16 =	rddreg [dreg:$0xa];
	[sflag:s23] =	ssyncset.done $0x0  }
0x12a: {  	s17 =	rddreg [dreg:$0x9];
	[sflag:s23] =	ssyncadd.s32 $0xFFFFC400;
	s16 =	sadd.s32 s15, s16  }
0x12b: {  	[tilespmem:s29], [sflag:$0x3] =	stream.linear.gather [hbm4b:s16+s6], $0x78, $0x38;
	[tilespmem:$0x1F300] =	vst v63  }
0x12c: {  	s15 =	sadd.s32 s15, s17  }
0x12d: {  	[tilespmem:s30], [sflag:$0x3] =	stream.linear.gather [hbm4b:s15+s6], $0x78, $0x38;
	[tilespmem:$0x1F300] =	vst v63  }
0x12e: {  	_ =	swait.ge [sflag:s31], $0x78  }
0x12f: {  	[sflag:s31] =	ssyncset.done $0x0  }
0x130: {  	[sflag:s31] =	ssyncadd.s32 $0xFFFFFF88  }
0x131: {  	_ =	swait.ge [sflag:s31], $0x78  }
0x132: {  	[sflag:s31] =	ssyncset.done $0x0  }
0x133: {  	[sflag:s31] =	ssyncadd.s32 $0xFFFFFF88  }
0x134: {  	[tilespmem:s4], [sflag:$0x5] =	stream.indirect.gather [hbm4b:s1+s25], $0x80, s26, s25, $0xb8;
	[tilespmem:$0x1F300] =	vst v63  }
0x135: {  	_ =	swait.ge [sflag:s0], $0x3C00  }
0x136: {  	[sflag:s0] =	ssyncset.done $0x0  }
0x137: {  	s16 =	smin.u32 s14, $0x4D;
	[sflag:s0] =	ssyncadd.s32 $0xFFFFC400  }
0x138: {  	[spmem:s5] =	stream.indirect.scatter.add.f32 [tilespmem:s22], [sflag:$0x7], $0x80, s21, s25, $0xb8;
	[tilespmem:$0x1F300] =	vst v63  }
0x139: {  	s15 =	smul.u32 $0x78, s16;
	_ =	swait.ge [sflag:s23], $0x3C00  }
0x13a: {  	s17 =	rddreg [dreg:$0x6]  }
0x13b: {  	s15 =	sadd.s32 s15, s17  }
0x13c: {  	[sflag:s23] =	ssyncset.done $0x0;
	s15 =	sshrl.u32 s15, $0x3  }
0x13d: {  	[sflag:s23] =	ssyncadd.s32 $0xFFFFC400;
	s17 =	sadd.s32 s2, s15  }
0x13e: {  	[tilespmem:s6], [sflag:$0x1] =	stream.linear.gather [hbm4b:s17+s6], $0x78, $0x38;
	[tilespmem:$0x1F300] =	vst v63  }
0x13f: {  	s15 =	sadd.s32 s3, s15  }
0x140: {  	[tilespmem:s21], [sflag:$0x1] =	stream.linear.gather [hbm4b:s15+s6], $0x78, $0x38;
	[tilespmem:$0x1F300] =	vst v63  }
0x141: {  	_ =	swait.ge [sflag:s7], $0x78  }
0x142: {  	[sflag:s7] =	ssyncset.done $0x0  }
0x143: {  	[sflag:s7] =	ssyncadd.s32 $0xFFFFFF88  }
0x144: {  	_ =	swait.ge [sflag:s7], $0x78  }
0x145: {  	[sflag:s7] =	ssyncset.done $0x0  }
0x146: {  	[sflag:s7] =	ssyncadd.s32 $0xFFFFFF88  }
0x147: {  	[tilespmem:s9], [sflag:$0x6] =	stream.indirect.gather [hbm4b:s1+s25], $0x80, s29, s25, $0xb8;
	[tilespmem:$0x1F300] =	vst v63  }
0x148: {  	_ =	swait.ge [sflag:s10], $0x3C00  }
0x149: {  	[sflag:s10] =	ssyncset.done $0x0  }
0x14a: {  	s16 =	smin.u32 s14, $0x4C;
	[sflag:s10] =	ssyncadd.s32 $0xFFFFC400  }
0x14b: {  	[spmem:s5] =	stream.indirect.scatter.add.f32 [tilespmem:s4], [sflag:$0x7], $0x80, s28, s25, $0xb8;
	[tilespmem:$0x1F300] =	vst v63  }
0x14c: {  	s15 =	smul.u32 $0x78, s16;
	_ =	swait.ge [sflag:s23], $0x3C00  }
0x14d: {  	s17 =	rddreg [dreg:$0x7]  }
0x14e: {  	s15 =	sadd.s32 s15, s17  }
0x14f: {  	[sflag:s23] =	ssyncset.done $0x0;
	s15 =	sshrl.u32 s15, $0x3  }
0x150: {  	[sflag:s23] =	ssyncadd.s32 $0xFFFFC400;
	s17 =	sadd.s32 s2, s15  }
0x151: {  	[tilespmem:s26], [sflag:$0x2] =	stream.linear.gather [hbm4b:s17+s6], $0x78, $0x38;
	[tilespmem:$0x1F300] =	vst v63  }
0x152: {  	s15 =	sadd.s32 s3, s15  }
0x153: {  	[tilespmem:s28], [sflag:$0x2] =	stream.linear.gather [hbm4b:s15+s6], $0x78, $0x38;
	[tilespmem:$0x1F300] =	vst v63  }
0x154: {  	_ =	swait.ge [sflag:s24], $0x78  }
0x155: {  	[sflag:s24] =	ssyncset.done $0x0  }
0x156: {  	[sflag:s24] =	ssyncadd.s32 $0xFFFFFF88  }
0x157: {  	_ =	swait.ge [sflag:s24], $0x78  }
0x158: {  	[sflag:s24] =	ssyncset.done $0x0  }
0x159: {  	[sflag:s24] =	ssyncadd.s32 $0xFFFFFF88  }
0x15a: {  	[tilespmem:s22], [sflag:$0x4] =	stream.indirect.gather [hbm4b:s1+s25], $0x80, s6, s25, $0xb8;
	[tilespmem:$0x1F300] =	vst v63  }
0x15b: {  	_ =	swait.ge [sflag:s11], $0x3C00  }
0x15c: {  	[sflag:s11] =	ssyncset.done $0x0  }
0x15d: {  	s16 =	smin.u32 s14, $0x4B;
	[sflag:s11] =	ssyncadd.s32 $0xFFFFC400  }
0x15e: {  	[spmem:s5] =	stream.indirect.scatter.add.f32 [tilespmem:s9], [sflag:$0x7], $0x80, s30, s25, $0xb8;
	[tilespmem:$0x1F300] =	vst v63  }
0x15f: {  	p0 =	sne.s32 s13, $0x492;
	s15 =	smul.u32 $0x78, s16;
	_ =	swait.ge [sflag:s23], $0x3C00  }
.Ltmp1:
0x160: {  	s17 =	rddreg [dreg:$0x8];
	(pc) =	sbr.rel @p0 .LBB2_4-.Ltmp1, $4  }
0x161: {  	s13 =	sadd.s32 $0x5A, s13;
	s15 =	sadd.s32 s15, s17  }
0x162: {  	s14 =	sadd.s32 $0x6, s14;
	[sflag:s23] =	ssyncset.done $0x0;
	s15 =	sshrl.u32 s15, $0x3  }
0x163: {  	[sflag:s23] =	ssyncadd.s32 $0xFFFFC400;
	s17 =	sadd.s32 s2, s15;
	s15 =	sadd.s32 s3, s15  }
0x164: {  	[tilespmem:s29], [sflag:$0x3] =	stream.linear.gather [hbm4b:s17+s6], $0x78, $0x38;
	[tilespmem:$0x1F300] =	vst v63  }
0x165: {  	[tilespmem:s30], [sflag:$0x3] =	stream.linear.gather [hbm4b:s15+s6], $0x78, $0x38;
	[tilespmem:$0x1F300] =	vst v63  }
0x166: {  	_ =	swait.ge [sflag:s0], $0x3C00  }
0x167: {  	[sflag:s0] =	ssyncset.done $0x0  }
0x168: {  	[sflag:s0] =	ssyncadd.s32 $0xFFFFC400  }
0x169: {  	_ =	swait.ge [sflag:s31], $0x78  }
0x16a: {  	[sflag:s31] =	ssyncset.done $0x0  }
0x16b: {  	[sflag:s31] =	ssyncadd.s32 $0xFFFFFF88  }
0x16c: {  	_ =	swait.ge [sflag:s31], $0x78  }
0x16d: {  	[sflag:s31] =	ssyncset.done $0x0  }
0x16e: {  	[sflag:s31] =	ssyncadd.s32 $0xFFFFFF88  }
0x16f: {  	_ =	swait.ge [sflag:s7], $0x78  }
0x170: {  	[sflag:s7] =	ssyncset.done $0x0  }
0x171: {  	[sflag:s7] =	ssyncadd.s32 $0xFFFFFF88  }
0x172: {  	s13 =	stileid.u32;
	_ =	swait.ge [sflag:s7], $0x78  }
0x173: {  	s14 =	sshrl.u32 s8, $0x3;
	s12 =	sadd.s32 $0x1, s12;
	[sflag:s7] =	ssyncset.done $0x0  }
0x174: {  	s13 =	sshll.u32 s13, $0x6;
	p0 =	sne.s32 s12, s20;
	[sflag:s7] =	ssyncadd.s32 $0xFFFFFF88  }
.Ltmp2:
0x175: {  	s13 =	sor.u32 $0x1C07, s13;
	[bflag:$0x0] =	sbarrier.arrive $0xFFFF;
	(pc) =	sbr.rel @p0 .LBB2_1-.Ltmp2, $4  }
0x176: {  	[hbm:s19], [sflag:s13] =	dma.local [spmem:s14], $0x2780  }
0x177: {  	_ =	swait.ge [sflag:s23], $0x2780  }
0x178: {  	[sflag:s23] =	ssyncset.done $0x0  }
0x179: {  	[sflag:s23] =	ssyncadd.s32 $0xFFFFD880  }
0x17a: {  	_ =	sfence.sel $0x180000  }
0x17b: {  	[bflag:$0x0] =	sbarrier.arrive $0xFFFF  }
0x17c: {  	_ =	strace $0x90000047  }
0x17d: {  	s0 =	stileid.u32;
	[bflag:$0x2] =	sbarrier.arrive $0xFFFF  }
0x17e: {  	p0 =	sne.s32 s0, $0x0;
	s0 =	rddreg [dreg:$0x5]  }
0x17f: {  	s0 =	sadd.s32 @!p0 $0x100000, s0  }
0x180: {  	[sflag:s0] =	ssyncadd.tile.s32 @!p0 $0x1;
	_ =	shalt  }
.Lfunc_end2:
_tile_overlayer_lowered:
.L_overlay_start_2:
0x181: {  	(tag) =	ssettag $0x2  }
0x182: {  	s0 =	rddreg [dreg:$0x0];
	s2 =	stileid.u32  }
0x183: {  	s1 =	rddreg [dreg:$0x1];
	p0 =	sne.s32 s2, $0x0  }
0x184: {  	s3 =	rddreg [dreg:$0x2];
	[bflag:$0x3] =	sbarrier.arrive $0xFFFF;
	s2 =	simm.s32 @!p0 $0x1C07  }
0x185: {  	[timem:s3], [sflag:s2] =	dma.local @!p0 [hbm:s0], s1  }
0x186: {  	s0 =	simm.s32 @!p0 $0x7  }
0x187: {  	_ =	swait.ge @!p0 [sflag:s0], s1  }
0x188: {  	s1 =	ssub.s32 @!p0 $0x0, s1;
	[sflag:s0] =	ssyncset.done @!p0 $0x0  }
0x189: {  	[sflag:s0] =	ssyncadd.s32 @!p0 s1  }
0x18a: {  	[bflag:$0x3] =	sbarrier.arrive $0xFFFF  }
0x18b: {  	_ =	shalt  }

</sc_bundles>
